<compile_context>
chip_gen: v7x
topology: tpu7x:2x2x1
jax: 0.10.2.dev20260603
libtpu: 0.0.44.dev20260713+nightly
codegen_flags: <defaults>
</compile_context>

<pallas_src>
import functools

import jax
import jax.numpy as jnp
from jax import lax
from jax.experimental import pallas as pl
from jax.experimental.pallas import tpu as pltpu
from jax.experimental.pallas import tpu_sc as plsc

D_MODEL = 64
SCALE = float(D_MODEL) ** 0.5

_V = 1000000
_B = 16384
_S = 50
_NC = 2
_NS = 16
_NW = _NC * _NS

_CP = pltpu.CompilerParams(use_tc_tiling_on_sc=True, needs_layout_passes=False)
_MESH = dict(core_axis_name="c", subcore_axis_name="s")

_IOTA16 = lambda: jax.lax.iota(jnp.int32, 16)


_NBLK = _V // 128
_NSB = _NBLK // 2
_SB_PER_W = -(-_NSB // (_NW * 4)) * 4


def _reformat_kernel(tt_hbm, tail_hbm, t2_hbm,
                     in0, in1, in2, in3, out0, out1,
                     si0, si1, si2, si3, so0, so1):
    wid = lax.axis_index("s") * _NC + lax.axis_index("c")
    base = wid * _SB_PER_W

    iota = _IOTA16()
    ins, sis = [in0, in1, in2, in3], [si0, si1, si2, si3]
    outs, sos = [out0, out1], [so0, so1]

    def in_src(sb):
        return tt_hbm.at[:, pl.ds(sb * 256, 256)]

    def out_dst(sb):
        return t2_hbm.at[pl.ds(sb * 128, 128), :]

    def sb_at(k, b):
        return jnp.minimum(base + 4 * k + b, _NSB - 1)

    for b in range(4):
        pltpu.async_copy(in_src(sb_at(0, b)), ins[b], sis[b])

    def grp_body(k, _):
        for b in range(4):
            ob = b % 2
            sb = sb_at(k, b)
            pltpu.make_async_copy(in_src(sb), ins[b], sis[b]).wait()
            if b < 2:
                @pl.when(k > 0)
                def _w():
                    pltpu.make_async_copy(outs[ob], out_dst(sb), sos[ob]).wait()
            else:
                pltpu.make_async_copy(outs[ob], out_dst(sb), sos[ob]).wait()

            in_b, out_b = ins[b], outs[ob]

            @plsc.parallel_loop(0, 1024, step=1, unroll=4)
            def _t(f):
                kd = f & 15
                gm = (f >> 4) & 3
                p0 = ((f >> 6) & 7) * 16
                ghi = f >> 9
                mvk = (kd + iota) & 15
                rv = 16 * gm + iota
                colv = (mvk << 1) + (2 * p0 + ghi)
                vals = plsc.load_gather(in_b, [rv, colv])
                pv = p0 + mvk
                qv = (16 * gm + 64 * ghi) + iota
                plsc.store_scatter(out_b, [pv, qv], vals * SCALE)

            pltpu.async_copy(outs[ob], out_dst(sb), sos[ob])
            pltpu.async_copy(in_src(sb_at(k + 1, b)), ins[b], sis[b])
        return 0

    lax.fori_loop(0, _SB_PER_W // 4, grp_body, 0)

    last = _NSB - 1
    for b in range(4):
        pltpu.make_async_copy(in_src(last), ins[b], sis[b]).wait()
    for ob in range(2):
        pltpu.make_async_copy(outs[ob], out_dst(last), sos[ob]).wait()

    @pl.when(wid == _NW - 1)
    def _copy_tail():
        pltpu.sync_copy(tail_hbm, in0.at[pl.ds(0, 32), pl.ds(0, 128)])
        pltpu.sync_copy(in0.at[pl.ds(0, 32), pl.ds(0, 128)],
                        t2_hbm.at[pl.ds(_NBLK * 64, 32), :])


@jax.jit
def _reformat(tt, tail):
    fn = functools.partial(
        pl.kernel,
        mesh=plsc.VectorSubcoreMesh(**_MESH),
        out_type=jax.ShapeDtypeStruct((_V // 2, 128), jnp.float32),
        scratch_types=(
            [pltpu.VMEM((64, 256), jnp.float32) for _ in range(4)]
            + [pltpu.VMEM((128, 128), jnp.float32) for _ in range(2)]
            + [pltpu.SemaphoreType.DMA for _ in range(6)]
        ),
        compiler_params=_CP,
    )(_reformat_kernel)
    return fn(tt, tail)


_JT = _B // 128
_CHU = 16
_NCHUNK = _S * (_JT // _CHU)
_CH_PER_W = -(-_NCHUNK // _NW)


def _gather_kernel(xt_hbm, t2_hbm, out_hbm,
                   idxb, ix0, ix1, ix2, ix3, rows0, rows1, rows2, rows3,
                   os0, os1, sg0, sg1, sg2, sg3, so0, so1):
    wid = lax.axis_index("s") * _NC + lax.axis_index("c")

    iota = _IOTA16()
    jv = [iota + 16 * t for t in range(8)]
    ixs, rows = [ix0, ix1, ix2, ix3], [rows0, rows1, rows2, rows3]
    oss = [os0, os1]
    sgs, sos = [sg0, sg1, sg2, sg3], [so0, so1]

    def prep(u, b):
        for t in range(8):
            ixs[b][pl.ds(16 * t, 16)] = lax.shift_right_logical(
                idxb[pl.ds(u * 128 + 16 * t, 16)], 1)

    def extract(u, b4, b2):
        ov = [(idxb[pl.ds(u * 128 + 16 * t, 16)] & 1) * 64 for t in range(8)]
        rb, ob = rows[b4], oss[b2]

        @plsc.parallel_loop(0, D_MODEL, step=1, unroll=4)
        def _e(c):
            cd = (c + iota) & (D_MODEL - 1)
            for t in range(8):
                vals = plsc.load_gather(rb, [jv[t], ov[t] + cd])
                plsc.store_scatter(ob, [cd, jv[t]], vals)

    def chunk_body(m, _):
        cid = jnp.minimum(wid * _CH_PER_W + m, _NCHUNK - 1)
        s = cid // (_JT // _CHU)
        jt0 = (cid % (_JT // _CHU)) * _CHU

        pltpu.sync_copy(xt_hbm.at[s, pl.ds(jt0 * 128, _CHU * 128)], idxb)

        h_g = [None, None, None, None]
        h_o = [None, None]
        for u in range(3):
            prep(u, u)
            h_g[u] = pltpu.async_copy(t2_hbm.at[ixs[u]], rows[u], sgs[u])
        for u in range(16):
            b4, b2 = u % 4, u % 2
            if u + 3 < 16:
                nb = (u + 3) % 4
                prep(u + 3, nb)
                h_g[nb] = pltpu.async_copy(
                    t2_hbm.at[ixs[nb]], rows[nb], sgs[nb])
            h_g[b4].wait()
            if h_o[b2] is not None:
                h_o[b2].wait()
            extract(u, b4, b2)
            h_o[b2] = pltpu.async_copy(
                oss[b2],
                out_hbm.at[s, :, pl.ds((jt0 + u) * 128, 128)], sos[b2])
        h_o[0].wait()
        h_o[1].wait()
        return 0

    lax.fori_loop(0, _CH_PER_W, chunk_body, 0)


@jax.jit
def _gather(xt, t2):
    fn = functools.partial(
        pl.kernel,
        mesh=plsc.VectorSubcoreMesh(**_MESH),
        out_type=jax.ShapeDtypeStruct((_S, D_MODEL, _B), jnp.float32),
        scratch_types=(
            [pltpu.VMEM((_CHU * 128,), jnp.int32)]
            + [pltpu.VMEM((128,), jnp.int32) for _ in range(4)]
            + [pltpu.VMEM((128, 128), jnp.float32) for _ in range(4)]
            + [pltpu.VMEM((D_MODEL, 128), jnp.float32) for _ in range(2)]
            + [pltpu.SemaphoreType.DMA for _ in range(6)]
        ),
        compiler_params=_CP,
    )(_gather_kernel)
    return fn(xt, t2)


def kernel(x, table):
    xt = jnp.transpose(x)
    tt = jnp.transpose(table)
    tail = jnp.reshape(lax.slice(table, (_NBLK * 128, 0), (_V, D_MODEL)),
                       (32, 128)) * SCALE
    t2 = _reformat(tt, tail)
    out_p = _gather(xt, t2)
    return jnp.transpose(out_p, (2, 0, 1))

# --- scband reference (transcript-rebuilt; emitter-appended) ---
"""Pipeline reference for scband-embedding-77318001262710 (READ-ONLY COPY).

The authoritative reference and input builder live on the scoring server;
editing this copy changes nothing except your own understanding.
"""

import jax, jax.numpy as jnp
import numpy as np

VOCAB = 1000000
D_MODEL = 64

def setup_inputs(seed: int = 0) -> dict:
    key = jax.random.key(seed)
    k1, k2 = jax.random.split(key)
    x = jax.random.randint(k1, (16384, 50), 0, VOCAB, dtype=jnp.int64 if jax.config.jax_enable_x64 else jnp.int32)
    table = jax.random.normal(k2, (VOCAB, D_MODEL), dtype=jnp.float32)
    return {"x": x, "table": table}

def reference(x, table):
    # Embedding lookup followed by sqrt(d_model) scaling, as in the torch module
    out = jnp.take(table, x, axis=0) * (D_MODEL ** 0.5)
    return out

if __name__ == "__main__":
    import jax
    _d = setup_inputs()
    print(jax.jit(kernel)(*tuple(_d.values())))

</pallas_src>

<mosaic_0001>
#map = affine_map<(d0, d1) -> (0, 0)>
module attributes {stable_mosaic.version = 14 : i64} {
  func.func @_reformat_kernel(%arg0: i32, %arg1: i32, %arg2: memref<64x1000000xf32, #tpu.memory_space<hbm>>, %arg3: memref<32x128xf32, #tpu.memory_space<hbm>>, %arg4: memref<500000x128xf32, #tpu.memory_space<hbm>>, %arg5: memref<64x256xf32, #tpu.memory_space<vmem>>, %arg6: memref<64x256xf32, #tpu.memory_space<vmem>>, %arg7: memref<64x256xf32, #tpu.memory_space<vmem>>, %arg8: memref<64x256xf32, #tpu.memory_space<vmem>>, %arg9: memref<128x128xf32, #tpu.memory_space<vmem>>, %arg10: memref<128x128xf32, #tpu.memory_space<vmem>>, %arg11: memref<!tpu.dma_semaphore, #tpu.memory_space<semaphore_mem>>, %arg12: memref<!tpu.dma_semaphore, #tpu.memory_space<semaphore_mem>>, %arg13: memref<!tpu.dma_semaphore, #tpu.memory_space<semaphore_mem>>, %arg14: memref<!tpu.dma_semaphore, #tpu.memory_space<semaphore_mem>>, %arg15: memref<!tpu.dma_semaphore, #tpu.memory_space<semaphore_mem>>, %arg16: memref<!tpu.dma_semaphore, #tpu.memory_space<semaphore_mem>>) attributes {dimension_semantics = [#tpu.dimension_semantics<core_parallel>, #tpu.dimension_semantics<subcore_parallel>], iteration_bounds = array<i64: 2, 16>, scalar_prefetch = 0 : i64, scratch_operands = 12 : i64, tpu.core_type = #tpu.core_type<sc_vector_subcore>, window_params = [{transform_indices = #map}, {transform_indices = #map}, {transform_indices = #map}]} {
    %mul3A = arith.constant 2 : i32
    %mul3A_0 = arith.muli %arg1, %mul3A : i32
    %add3A = arith.addi %mul3A_0, %arg0 : i32
    %mul3A_1 = arith.constant 124 : i32
    %mul3A_2 = arith.muli %add3A, %mul3A_1 : i32
    %iota3A = tpu.iota {dimensions = array<i32: 0>} : vector<16xi32>
    %add3A_3 = arith.constant 0 : i32
    %add3A_4 = arith.addi %mul3A_2, %add3A_3 : i32
    %add3A_5 = arith.constant 0 : i32
    %add3A_6 = arith.addi %add3A_4, %add3A_5 : i32
    %min3A = arith.constant 3905 : i32
    %min3A_7 = arith.minsi %add3A_6, %min3A : i32
    %mul3A_8 = arith.constant 256 : i32
    %mul3A_9 = arith.muli %min3A_7, %mul3A_8 : i32
    %dma_start3A = arith.constant 0 : i32
    %dma_start3A_10 = tpu.memref_slice %arg2[%dma_start3A, %mul3A_9] : memref<64x1000000xf32, #tpu.memory_space<hbm>> -> memref<64x256xf32, #tpu.memory_space<hbm>>
    %dma_start3A_11 = arith.constant 0 : i32
    %dma_start3A_12 = tpu.memref_slice %arg2[%dma_start3A_11, %mul3A_9] : memref<64x1000000xf32, #tpu.memory_space<hbm>> -> memref<64x256xf32, #tpu.memory_space<hbm>>
    tpu.enqueue_dma source(%dma_start3A_12 : memref<64x256xf32, #tpu.memory_space<hbm>>) target(%arg5 : memref<64x256xf32, #tpu.memory_space<vmem>>) target_semaphore(%arg11 : memref<!tpu.dma_semaphore, #tpu.memory_space<semaphore_mem>>)
    %add3A_13 = arith.constant 0 : i32
    %add3A_14 = arith.addi %mul3A_2, %add3A_13 : i32
    %add3A_15 = arith.constant 1 : i32
    %add3A_16 = arith.addi %add3A_14, %add3A_15 : i32
    %min3A_17 = arith.constant 3905 : i32
    %min3A_18 = arith.minsi %add3A_16, %min3A_17 : i32
    %mul3A_19 = arith.constant 256 : i32
    %mul3A_20 = arith.muli %min3A_18, %mul3A_19 : i32
    %dma_start3A_21 = arith.constant 0 : i32
    %dma_start3A_22 = tpu.memref_slice %arg2[%dma_start3A_21, %mul3A_20] : memref<64x1000000xf32, #tpu.memory_space<hbm>> -> memref<64x256xf32, #tpu.memory_space<hbm>>
    %dma_start3A_23 = arith.constant 0 : i32
    %dma_start3A_24 = tpu.memref_slice %arg2[%dma_start3A_23, %mul3A_20] : memref<64x1000000xf32, #tpu.memory_space<hbm>> -> memref<64x256xf32, #tpu.memory_space<hbm>>
    tpu.enqueue_dma source(%dma_start3A_24 : memref<64x256xf32, #tpu.memory_space<hbm>>) target(%arg6 : memref<64x256xf32, #tpu.memory_space<vmem>>) target_semaphore(%arg12 : memref<!tpu.dma_semaphore, #tpu.memory_space<semaphore_mem>>)
    %add3A_25 = arith.constant 0 : i32
    %add3A_26 = arith.addi %mul3A_2, %add3A_25 : i32
    %add3A_27 = arith.constant 2 : i32
    %add3A_28 = arith.addi %add3A_26, %add3A_27 : i32
    %min3A_29 = arith.constant 3905 : i32
    %min3A_30 = arith.minsi %add3A_28, %min3A_29 : i32
    %mul3A_31 = arith.constant 256 : i32
    %mul3A_32 = arith.muli %min3A_30, %mul3A_31 : i32
    %dma_start3A_33 = arith.constant 0 : i32
    %dma_start3A_34 = tpu.memref_slice %arg2[%dma_start3A_33, %mul3A_32] : memref<64x1000000xf32, #tpu.memory_space<hbm>> -> memref<64x256xf32, #tpu.memory_space<hbm>>
    %dma_start3A_35 = arith.constant 0 : i32
    %dma_start3A_36 = tpu.memref_slice %arg2[%dma_start3A_35, %mul3A_32] : memref<64x1000000xf32, #tpu.memory_space<hbm>> -> memref<64x256xf32, #tpu.memory_space<hbm>>
    tpu.enqueue_dma source(%dma_start3A_36 : memref<64x256xf32, #tpu.memory_space<hbm>>) target(%arg7 : memref<64x256xf32, #tpu.memory_space<vmem>>) target_semaphore(%arg13 : memref<!tpu.dma_semaphore, #tpu.memory_space<semaphore_mem>>)
    %add3A_37 = arith.constant 0 : i32
    %add3A_38 = arith.addi %mul3A_2, %add3A_37 : i32
    %add3A_39 = arith.constant 3 : i32
    %add3A_40 = arith.addi %add3A_38, %add3A_39 : i32
    %min3A_41 = arith.constant 3905 : i32
    %min3A_42 = arith.minsi %add3A_40, %min3A_41 : i32
    %mul3A_43 = arith.constant 256 : i32
    %mul3A_44 = arith.muli %min3A_42, %mul3A_43 : i32
    %dma_start3A_45 = arith.constant 0 : i32
    %dma_start3A_46 = tpu.memref_slice %arg2[%dma_start3A_45, %mul3A_44] : memref<64x1000000xf32, #tpu.memory_space<hbm>> -> memref<64x256xf32, #tpu.memory_space<hbm>>
    %dma_start3A_47 = arith.constant 0 : i32
    %dma_start3A_48 = tpu.memref_slice %arg2[%dma_start3A_47, %mul3A_44] : memref<64x1000000xf32, #tpu.memory_space<hbm>> -> memref<64x256xf32, #tpu.memory_space<hbm>>
    tpu.enqueue_dma source(%dma_start3A_48 : memref<64x256xf32, #tpu.memory_space<hbm>>) target(%arg8 : memref<64x256xf32, #tpu.memory_space<vmem>>) target_semaphore(%arg14 : memref<!tpu.dma_semaphore, #tpu.memory_space<semaphore_mem>>)
    %scan3A = arith.constant 0 : i32
    %scan3A_49 = arith.constant 0 : i32
    %scan3A_50 = arith.constant 31 : i32
    %scan3A_51 = arith.addi %scan3A_49, %scan3A_50 : i32
    %scan3A_52 = arith.constant 1 : i32
    %scan3A_53 = scf.for %scan3A_92 = %scan3A_49 to %scan3A_51 step %scan3A_52 iter_args(%scan3A_93 = %scan3A) -> (i32)  : i32 {
      %mul3A_94 = arith.constant 4 : i32
      %mul3A_95 = arith.muli %mul3A_94, %scan3A_92 : i32
      %add3A_96 = arith.addi %mul3A_2, %mul3A_95 : i32
      %add3A_97 = arith.constant 0 : i32
      %add3A_98 = arith.addi %add3A_96, %add3A_97 : i32
      %min3A_99 = arith.constant 3905 : i32
      %min3A_100 = arith.minsi %add3A_98, %min3A_99 : i32
      %mul3A_101 = arith.constant 256 : i32
      %mul3A_102 = arith.muli %min3A_100, %mul3A_101 : i32
      %dma_wait3A_103 = arith.constant 0 : i32
      %dma_wait3A_104 = tpu.memref_slice %arg2[%dma_wait3A_103, %mul3A_102] : memref<64x1000000xf32, #tpu.memory_space<hbm>> -> memref<64x256xf32, #tpu.memory_space<hbm>>
      %dma_wait3A_105 = arith.constant 0 : i32
      %dma_wait3A_106 = tpu.memref_slice %arg2[%dma_wait3A_105, %mul3A_102] : memref<64x1000000xf32, #tpu.memory_space<hbm>> -> memref<64x256xf32, #tpu.memory_space<hbm>>
      tpu.wait_dma2 semaphore(%arg11 : memref<!tpu.dma_semaphore, #tpu.memory_space<semaphore_mem>>) src(%dma_wait3A_106 : memref<64x256xf32, #tpu.memory_space<hbm>>) dst(%arg5 : memref<64x256xf32, #tpu.memory_space<vmem>>)
      %gt3A = arith.constant 0 : i32
      %gt3A_107 = arith.cmpi sgt, %scan3A_92, %gt3A : i32
      %convert_element_type3A_108 = arith.extui %gt3A_107 : i1 to i32
      %cond3A_109 = arith.constant 0 : i32
      %cond3A_110 = arith.cmpi ne, %convert_element_type3A_108, %cond3A_109 : i32
      scf.if %cond3A_110 {
        %mul3A_263 = arith.constant 128 : i32
        %mul3A_264 = arith.muli %min3A_100, %mul3A_263 : i32
        %dma_wait3A_265 = arith.constant 0 : i32
        %dma_wait3A_266 = tpu.memref_slice %arg4[%mul3A_264, %dma_wait3A_265] : memref<500000x128xf32, #tpu.memory_space<hbm>> -> memref<128x128xf32, #tpu.memory_space<hbm>>
        %dma_wait3A_267 = arith.constant 0 : i32
        %dma_wait3A_268 = tpu.memref_slice %arg4[%mul3A_264, %dma_wait3A_267] : memref<500000x128xf32, #tpu.memory_space<hbm>> -> memref<128x128xf32, #tpu.memory_space<hbm>>
        tpu.wait_dma2 semaphore(%arg15 : memref<!tpu.dma_semaphore, #tpu.memory_space<semaphore_mem>>) src(%arg9 : memref<128x128xf32, #tpu.memory_space<vmem>>) dst(%dma_wait3A_268 : memref<128x128xf32, #tpu.memory_space<hbm>>)
      } else {
      }
      %parallel_loop3A = arith.constant 0 : i32
      %parallel_loop3A_111 = arith.constant 1024 : i32
      %parallel_loop3A_112 = arith.constant 1 : i32
      scf.for %parallel_loop3A_263 = %parallel_loop3A to %parallel_loop3A_111 step %parallel_loop3A_112  : i32 {
        %parallel_loop3A_264 = arith.constant 15 : i32
        %parallel_loop3A_265 = arith.andi %parallel_loop3A_263, %parallel_loop3A_264 : i32
        %parallel_loop3A_266 = arith.constant 4 : i32
        %parallel_loop3A_267 = arith.shrsi %parallel_loop3A_263, %parallel_loop3A_266 : i32
        %parallel_loop3A_268 = arith.constant 3 : i32
        %parallel_loop3A_269 = arith.andi %parallel_loop3A_267, %parallel_loop3A_268 : i32
        %parallel_loop3A_270 = arith.constant 6 : i32
        %parallel_loop3A_271 = arith.shrsi %parallel_loop3A_263, %parallel_loop3A_270 : i32
        %parallel_loop3A_272 = arith.constant 7 : i32
        %parallel_loop3A_273 = arith.andi %parallel_loop3A_271, %parallel_loop3A_272 : i32
        %parallel_loop3A_274 = arith.constant 16 : i32
        %parallel_loop3A_275 = arith.muli %parallel_loop3A_273, %parallel_loop3A_274 : i32
        %parallel_loop3A_276 = arith.constant 9 : i32
        %parallel_loop3A_277 = arith.shrsi %parallel_loop3A_263, %parallel_loop3A_276 : i32
        %parallel_loop3A_278 = vector.broadcast %parallel_loop3A_265 : i32 to vector<16xi32>
        %parallel_loop3A_279 = arith.addi %parallel_loop3A_278, %iota3A : vector<16xi32>
        %parallel_loop3A_280 = arith.constant 15 : i32
        %parallel_loop3A_281 = vector.broadcast %parallel_loop3A_280 : i32 to vector<16xi32>
        %parallel_loop3A_282 = arith.andi %parallel_loop3A_279, %parallel_loop3A_281 : vector<16xi32>
        %parallel_loop3A_283 = arith.constant 16 : i32
        %parallel_loop3A_284 = arith.muli %parallel_loop3A_283, %parallel_loop3A_269 : i32
        %parallel_loop3A_285 = vector.broadcast %parallel_loop3A_284 : i32 to vector<16xi32>
        %parallel_loop3A_286 = arith.addi %parallel_loop3A_285, %iota3A : vector<16xi32>
        %parallel_loop3A_287 = arith.constant 1 : i32
        %parallel_loop3A_288 = vector.broadcast %parallel_loop3A_287 : i32 to vector<16xi32>
        %parallel_loop3A_289 = arith.shli %parallel_loop3A_282, %parallel_loop3A_288 : vector<16xi32>
        %parallel_loop3A_290 = arith.constant 2 : i32
        %parallel_loop3A_291 = arith.muli %parallel_loop3A_290, %parallel_loop3A_275 : i32
        %parallel_loop3A_292 = arith.addi %parallel_loop3A_291, %parallel_loop3A_277 : i32
        %parallel_loop3A_293 = vector.broadcast %parallel_loop3A_292 : i32 to vector<16xi32>
        %parallel_loop3A_294 = arith.addi %parallel_loop3A_289, %parallel_loop3A_293 : vector<16xi32>
        %parallel_loop3A_295 = tpu.vector_load_idx %arg5[%parallel_loop3A_286, %parallel_loop3A_294] : memref<64x256xf32, #tpu.memory_space<vmem>>[vector<16xi32>, vector<16xi32>], vector<16xf32>,
        %parallel_loop3A_296 = vector.broadcast %parallel_loop3A_275 : i32 to vector<16xi32>
        %parallel_loop3A_297 = arith.addi %parallel_loop3A_296, %parallel_loop3A_282 : vector<16xi32>
        %parallel_loop3A_298 = arith.constant 16 : i32
        %parallel_loop3A_299 = arith.muli %parallel_loop3A_298, %parallel_loop3A_269 : i32
        %parallel_loop3A_300 = arith.constant 64 : i32
        %parallel_loop3A_301 = arith.muli %parallel_loop3A_300, %parallel_loop3A_277 : i32
        %parallel_loop3A_302 = arith.addi %parallel_loop3A_299, %parallel_loop3A_301 : i32
        %parallel_loop3A_303 = vector.broadcast %parallel_loop3A_302 : i32 to vector<16xi32>
        %parallel_loop3A_304 = arith.addi %parallel_loop3A_303, %iota3A : vector<16xi32>
        %parallel_loop3A_305 = arith.constant 8.000000e+00 : f32
        %parallel_loop3A_306 = vector.broadcast %parallel_loop3A_305 : f32 to vector<16xf32>
        %parallel_loop3A_307 = arith.mulf %parallel_loop3A_295, %parallel_loop3A_306 : vector<16xf32>
        tpu.vector_store_idx %arg9[%parallel_loop3A_297, %parallel_loop3A_304], %parallel_loop3A_307 : memref<128x128xf32, #tpu.memory_space<vmem>>[vector<16xi32>, vector<16xi32>], vector<16xf32>,
      } {sc.loop_unroll_factor = 4 : i64, sc.parallel_access}
      %mul3A_113 = arith.constant 128 : i32
      %mul3A_114 = arith.muli %min3A_100, %mul3A_113 : i32
      %dma_start3A_115 = arith.constant 0 : i32
      %dma_start3A_116 = tpu.memref_slice %arg4[%mul3A_114, %dma_start3A_115] : memref<500000x128xf32, #tpu.memory_space<hbm>> -> memref<128x128xf32, #tpu.memory_space<hbm>>
      %dma_start3A_117 = arith.constant 0 : i32
      %dma_start3A_118 = tpu.memref_slice %arg4[%mul3A_114, %dma_start3A_117] : memref<500000x128xf32, #tpu.memory_space<hbm>> -> memref<128x128xf32, #tpu.memory_space<hbm>>
      tpu.enqueue_dma source(%arg9 : memref<128x128xf32, #tpu.memory_space<vmem>>) target(%dma_start3A_118 : memref<128x128xf32, #tpu.memory_space<hbm>>) target_semaphore(%arg15 : memref<!tpu.dma_semaphore, #tpu.memory_space<semaphore_mem>>)
      %add3A_119 = arith.constant 1 : i32
      %add3A_120 = arith.addi %scan3A_92, %add3A_119 : i32
      %mul3A_121 = arith.constant 4 : i32
      %mul3A_122 = arith.muli %mul3A_121, %add3A_120 : i32
      %add3A_123 = arith.addi %mul3A_2, %mul3A_122 : i32
      %add3A_124 = arith.constant 0 : i32
      %add3A_125 = arith.addi %add3A_123, %add3A_124 : i32
      %min3A_126 = arith.constant 3905 : i32
      %min3A_127 = arith.minsi %add3A_125, %min3A_126 : i32
      %mul3A_128 = arith.constant 256 : i32
      %mul3A_129 = arith.muli %min3A_127, %mul3A_128 : i32
      %dma_start3A_130 = arith.constant 0 : i32
      %dma_start3A_131 = tpu.memref_slice %arg2[%dma_start3A_130, %mul3A_129] : memref<64x1000000xf32, #tpu.memory_space<hbm>> -> memref<64x256xf32, #tpu.memory_space<hbm>>
      %dma_start3A_132 = arith.constant 0 : i32
      %dma_start3A_133 = tpu.memref_slice %arg2[%dma_start3A_132, %mul3A_129] : memref<64x1000000xf32, #tpu.memory_space<hbm>> -> memref<64x256xf32, #tpu.memory_space<hbm>>
      tpu.enqueue_dma source(%dma_start3A_133 : memref<64x256xf32, #tpu.memory_space<hbm>>) target(%arg5 : memref<64x256xf32, #tpu.memory_space<vmem>>) target_semaphore(%arg11 : memref<!tpu.dma_semaphore, #tpu.memory_space<semaphore_mem>>)
      %mul3A_134 = arith.constant 4 : i32
      %mul3A_135 = arith.muli %mul3A_134, %scan3A_92 : i32
      %add3A_136 = arith.addi %mul3A_2, %mul3A_135 : i32
      %add3A_137 = arith.constant 1 : i32
      %add3A_138 = arith.addi %add3A_136, %add3A_137 : i32
      %min3A_139 = arith.constant 3905 : i32
      %min3A_140 = arith.minsi %add3A_138, %min3A_139 : i32
      %mul3A_141 = arith.constant 256 : i32
      %mul3A_142 = arith.muli %min3A_140, %mul3A_141 : i32
      %dma_wait3A_143 = arith.constant 0 : i32
      %dma_wait3A_144 = tpu.memref_slice %arg2[%dma_wait3A_143, %mul3A_142] : memref<64x1000000xf32, #tpu.memory_space<hbm>> -> memref<64x256xf32, #tpu.memory_space<hbm>>
      %dma_wait3A_145 = arith.constant 0 : i32
      %dma_wait3A_146 = tpu.memref_slice %arg2[%dma_wait3A_145, %mul3A_142] : memref<64x1000000xf32, #tpu.memory_space<hbm>> -> memref<64x256xf32, #tpu.memory_space<hbm>>
      tpu.wait_dma2 semaphore(%arg12 : memref<!tpu.dma_semaphore, #tpu.memory_space<semaphore_mem>>) src(%dma_wait3A_146 : memref<64x256xf32, #tpu.memory_space<hbm>>) dst(%arg6 : memref<64x256xf32, #tpu.memory_space<vmem>>)
      %gt3A_147 = arith.constant 0 : i32
      %gt3A_148 = arith.cmpi sgt, %scan3A_92, %gt3A_147 : i32
      %convert_element_type3A_149 = arith.extui %gt3A_148 : i1 to i32
      %cond3A_150 = arith.constant 0 : i32
      %cond3A_151 = arith.cmpi ne, %convert_element_type3A_149, %cond3A_150 : i32
      scf.if %cond3A_151 {
        %mul3A_263 = arith.constant 128 : i32
        %mul3A_264 = arith.muli %min3A_140, %mul3A_263 : i32
        %dma_wait3A_265 = arith.constant 0 : i32
        %dma_wait3A_266 = tpu.memref_slice %arg4[%mul3A_264, %dma_wait3A_265] : memref<500000x128xf32, #tpu.memory_space<hbm>> -> memref<128x128xf32, #tpu.memory_space<hbm>>
        %dma_wait3A_267 = arith.constant 0 : i32
        %dma_wait3A_268 = tpu.memref_slice %arg4[%mul3A_264, %dma_wait3A_267] : memref<500000x128xf32, #tpu.memory_space<hbm>> -> memref<128x128xf32, #tpu.memory_space<hbm>>
        tpu.wait_dma2 semaphore(%arg16 : memref<!tpu.dma_semaphore, #tpu.memory_space<semaphore_mem>>) src(%arg10 : memref<128x128xf32, #tpu.memory_space<vmem>>) dst(%dma_wait3A_268 : memref<128x128xf32, #tpu.memory_space<hbm>>)
      } else {
      }
      %parallel_loop3A_152 = arith.constant 0 : i32
      %parallel_loop3A_153 = arith.constant 1024 : i32
      %parallel_loop3A_154 = arith.constant 1 : i32
      scf.for %parallel_loop3A_263 = %parallel_loop3A_152 to %parallel_loop3A_153 step %parallel_loop3A_154  : i32 {
        %parallel_loop3A_264 = arith.constant 15 : i32
        %parallel_loop3A_265 = arith.andi %parallel_loop3A_263, %parallel_loop3A_264 : i32
        %parallel_loop3A_266 = arith.constant 4 : i32
        %parallel_loop3A_267 = arith.shrsi %parallel_loop3A_263, %parallel_loop3A_266 : i32
        %parallel_loop3A_268 = arith.constant 3 : i32
        %parallel_loop3A_269 = arith.andi %parallel_loop3A_267, %parallel_loop3A_268 : i32
        %parallel_loop3A_270 = arith.constant 6 : i32
        %parallel_loop3A_271 = arith.shrsi %parallel_loop3A_263, %parallel_loop3A_270 : i32
        %parallel_loop3A_272 = arith.constant 7 : i32
        %parallel_loop3A_273 = arith.andi %parallel_loop3A_271, %parallel_loop3A_272 : i32
        %parallel_loop3A_274 = arith.constant 16 : i32
        %parallel_loop3A_275 = arith.muli %parallel_loop3A_273, %parallel_loop3A_274 : i32
        %parallel_loop3A_276 = arith.constant 9 : i32
        %parallel_loop3A_277 = arith.shrsi %parallel_loop3A_263, %parallel_loop3A_276 : i32
        %parallel_loop3A_278 = vector.broadcast %parallel_loop3A_265 : i32 to vector<16xi32>
        %parallel_loop3A_279 = arith.addi %parallel_loop3A_278, %iota3A : vector<16xi32>
        %parallel_loop3A_280 = arith.constant 15 : i32
        %parallel_loop3A_281 = vector.broadcast %parallel_loop3A_280 : i32 to vector<16xi32>
        %parallel_loop3A_282 = arith.andi %parallel_loop3A_279, %parallel_loop3A_281 : vector<16xi32>
        %parallel_loop3A_283 = arith.constant 16 : i32
        %parallel_loop3A_284 = arith.muli %parallel_loop3A_283, %parallel_loop3A_269 : i32
        %parallel_loop3A_285 = vector.broadcast %parallel_loop3A_284 : i32 to vector<16xi32>
        %parallel_loop3A_286 = arith.addi %parallel_loop3A_285, %iota3A : vector<16xi32>
        %parallel_loop3A_287 = arith.constant 1 : i32
        %parallel_loop3A_288 = vector.broadcast %parallel_loop3A_287 : i32 to vector<16xi32>
        %parallel_loop3A_289 = arith.shli %parallel_loop3A_282, %parallel_loop3A_288 : vector<16xi32>
        %parallel_loop3A_290 = arith.constant 2 : i32
        %parallel_loop3A_291 = arith.muli %parallel_loop3A_290, %parallel_loop3A_275 : i32
        %parallel_loop3A_292 = arith.addi %parallel_loop3A_291, %parallel_loop3A_277 : i32
        %parallel_loop3A_293 = vector.broadcast %parallel_loop3A_292 : i32 to vector<16xi32>
        %parallel_loop3A_294 = arith.addi %parallel_loop3A_289, %parallel_loop3A_293 : vector<16xi32>
        %parallel_loop3A_295 = tpu.vector_load_idx %arg6[%parallel_loop3A_286, %parallel_loop3A_294] : memref<64x256xf32, #tpu.memory_space<vmem>>[vector<16xi32>, vector<16xi32>], vector<16xf32>,
        %parallel_loop3A_296 = vector.broadcast %parallel_loop3A_275 : i32 to vector<16xi32>
        %parallel_loop3A_297 = arith.addi %parallel_loop3A_296, %parallel_loop3A_282 : vector<16xi32>
        %parallel_loop3A_298 = arith.constant 16 : i32
        %parallel_loop3A_299 = arith.muli %parallel_loop3A_298, %parallel_loop3A_269 : i32
        %parallel_loop3A_300 = arith.constant 64 : i32
        %parallel_loop3A_301 = arith.muli %parallel_loop3A_300, %parallel_loop3A_277 : i32
        %parallel_loop3A_302 = arith.addi %parallel_loop3A_299, %parallel_loop3A_301 : i32
        %parallel_loop3A_303 = vector.broadcast %parallel_loop3A_302 : i32 to vector<16xi32>
        %parallel_loop3A_304 = arith.addi %parallel_loop3A_303, %iota3A : vector<16xi32>
        %parallel_loop3A_305 = arith.constant 8.000000e+00 : f32
        %parallel_loop3A_306 = vector.broadcast %parallel_loop3A_305 : f32 to vector<16xf32>
        %parallel_loop3A_307 = arith.mulf %parallel_loop3A_295, %parallel_loop3A_306 : vector<16xf32>
        tpu.vector_store_idx %arg10[%parallel_loop3A_297, %parallel_loop3A_304], %parallel_loop3A_307 : memref<128x128xf32, #tpu.memory_space<vmem>>[vector<16xi32>, vector<16xi32>], vector<16xf32>,
      } {sc.loop_unroll_factor = 4 : i64, sc.parallel_access}
      %mul3A_155 = arith.constant 128 : i32
      %mul3A_156 = arith.muli %min3A_140, %mul3A_155 : i32
      %dma_start3A_157 = arith.constant 0 : i32
      %dma_start3A_158 = tpu.memref_slice %arg4[%mul3A_156, %dma_start3A_157] : memref<500000x128xf32, #tpu.memory_space<hbm>> -> memref<128x128xf32, #tpu.memory_space<hbm>>
      %dma_start3A_159 = arith.constant 0 : i32
      %dma_start3A_160 = tpu.memref_slice %arg4[%mul3A_156, %dma_start3A_159] : memref<500000x128xf32, #tpu.memory_space<hbm>> -> memref<128x128xf32, #tpu.memory_space<hbm>>
      tpu.enqueue_dma source(%arg10 : memref<128x128xf32, #tpu.memory_space<vmem>>) target(%dma_start3A_160 : memref<128x128xf32, #tpu.memory_space<hbm>>) target_semaphore(%arg16 : memref<!tpu.dma_semaphore, #tpu.memory_space<semaphore_mem>>)
      %add3A_161 = arith.constant 1 : i32
      %add3A_162 = arith.addi %scan3A_92, %add3A_161 : i32
      %mul3A_163 = arith.constant 4 : i32
      %mul3A_164 = arith.muli %mul3A_163, %add3A_162 : i32
      %add3A_165 = arith.addi %mul3A_2, %mul3A_164 : i32
      %add3A_166 = arith.constant 1 : i32
      %add3A_167 = arith.addi %add3A_165, %add3A_166 : i32
      %min3A_168 = arith.constant 3905 : i32
      %min3A_169 = arith.minsi %add3A_167, %min3A_168 : i32
      %mul3A_170 = arith.constant 256 : i32
      %mul3A_171 = arith.muli %min3A_169, %mul3A_170 : i32
      %dma_start3A_172 = arith.constant 0 : i32
      %dma_start3A_173 = tpu.memref_slice %arg2[%dma_start3A_172, %mul3A_171] : memref<64x1000000xf32, #tpu.memory_space<hbm>> -> memref<64x256xf32, #tpu.memory_space<hbm>>
      %dma_start3A_174 = arith.constant 0 : i32
      %dma_start3A_175 = tpu.memref_slice %arg2[%dma_start3A_174, %mul3A_171] : memref<64x1000000xf32, #tpu.memory_space<hbm>> -> memref<64x256xf32, #tpu.memory_space<hbm>>
      tpu.enqueue_dma source(%dma_start3A_175 : memref<64x256xf32, #tpu.memory_space<hbm>>) target(%arg6 : memref<64x256xf32, #tpu.memory_space<vmem>>) target_semaphore(%arg12 : memref<!tpu.dma_semaphore, #tpu.memory_space<semaphore_mem>>)
      %mul3A_176 = arith.constant 4 : i32
      %mul3A_177 = arith.muli %mul3A_176, %scan3A_92 : i32
      %add3A_178 = arith.addi %mul3A_2, %mul3A_177 : i32
      %add3A_179 = arith.constant 2 : i32
      %add3A_180 = arith.addi %add3A_178, %add3A_179 : i32
      %min3A_181 = arith.constant 3905 : i32
      %min3A_182 = arith.minsi %add3A_180, %min3A_181 : i32
      %mul3A_183 = arith.constant 256 : i32
      %mul3A_184 = arith.muli %min3A_182, %mul3A_183 : i32
      %dma_wait3A_185 = arith.constant 0 : i32
      %dma_wait3A_186 = tpu.memref_slice %arg2[%dma_wait3A_185, %mul3A_184] : memref<64x1000000xf32, #tpu.memory_space<hbm>> -> memref<64x256xf32, #tpu.memory_space<hbm>>
      %dma_wait3A_187 = arith.constant 0 : i32
      %dma_wait3A_188 = tpu.memref_slice %arg2[%dma_wait3A_187, %mul3A_184] : memref<64x1000000xf32, #tpu.memory_space<hbm>> -> memref<64x256xf32, #tpu.memory_space<hbm>>
      tpu.wait_dma2 semaphore(%arg13 : memref<!tpu.dma_semaphore, #tpu.memory_space<semaphore_mem>>) src(%dma_wait3A_188 : memref<64x256xf32, #tpu.memory_space<hbm>>) dst(%arg7 : memref<64x256xf32, #tpu.memory_space<vmem>>)
      %mul3A_189 = arith.constant 128 : i32
      %mul3A_190 = arith.muli %min3A_182, %mul3A_189 : i32
      %dma_wait3A_191 = arith.constant 0 : i32
      %dma_wait3A_192 = tpu.memref_slice %arg4[%mul3A_190, %dma_wait3A_191] : memref<500000x128xf32, #tpu.memory_space<hbm>> -> memref<128x128xf32, #tpu.memory_space<hbm>>
      %dma_wait3A_193 = arith.constant 0 : i32
      %dma_wait3A_194 = tpu.memref_slice %arg4[%mul3A_190, %dma_wait3A_193] : memref<500000x128xf32, #tpu.memory_space<hbm>> -> memref<128x128xf32, #tpu.memory_space<hbm>>
      tpu.wait_dma2 semaphore(%arg15 : memref<!tpu.dma_semaphore, #tpu.memory_space<semaphore_mem>>) src(%arg9 : memref<128x128xf32, #tpu.memory_space<vmem>>) dst(%dma_wait3A_194 : memref<128x128xf32, #tpu.memory_space<hbm>>)
      %parallel_loop3A_195 = arith.constant 0 : i32
      %parallel_loop3A_196 = arith.constant 1024 : i32
      %parallel_loop3A_197 = arith.constant 1 : i32
      scf.for %parallel_loop3A_263 = %parallel_loop3A_195 to %parallel_loop3A_196 step %parallel_loop3A_197  : i32 {
        %parallel_loop3A_264 = arith.constant 15 : i32
        %parallel_loop3A_265 = arith.andi %parallel_loop3A_263, %parallel_loop3A_264 : i32
        %parallel_loop3A_266 = arith.constant 4 : i32
        %parallel_loop3A_267 = arith.shrsi %parallel_loop3A_263, %parallel_loop3A_266 : i32
        %parallel_loop3A_268 = arith.constant 3 : i32
        %parallel_loop3A_269 = arith.andi %parallel_loop3A_267, %parallel_loop3A_268 : i32
        %parallel_loop3A_270 = arith.constant 6 : i32
        %parallel_loop3A_271 = arith.shrsi %parallel_loop3A_263, %parallel_loop3A_270 : i32
        %parallel_loop3A_272 = arith.constant 7 : i32
        %parallel_loop3A_273 = arith.andi %parallel_loop3A_271, %parallel_loop3A_272 : i32
        %parallel_loop3A_274 = arith.constant 16 : i32
        %parallel_loop3A_275 = arith.muli %parallel_loop3A_273, %parallel_loop3A_274 : i32
        %parallel_loop3A_276 = arith.constant 9 : i32
        %parallel_loop3A_277 = arith.shrsi %parallel_loop3A_263, %parallel_loop3A_276 : i32
        %parallel_loop3A_278 = vector.broadcast %parallel_loop3A_265 : i32 to vector<16xi32>
        %parallel_loop3A_279 = arith.addi %parallel_loop3A_278, %iota3A : vector<16xi32>
        %parallel_loop3A_280 = arith.constant 15 : i32
        %parallel_loop3A_281 = vector.broadcast %parallel_loop3A_280 : i32 to vector<16xi32>
        %parallel_loop3A_282 = arith.andi %parallel_loop3A_279, %parallel_loop3A_281 : vector<16xi32>
        %parallel_loop3A_283 = arith.constant 16 : i32
        %parallel_loop3A_284 = arith.muli %parallel_loop3A_283, %parallel_loop3A_269 : i32
        %parallel_loop3A_285 = vector.broadcast %parallel_loop3A_284 : i32 to vector<16xi32>
        %parallel_loop3A_286 = arith.addi %parallel_loop3A_285, %iota3A : vector<16xi32>
        %parallel_loop3A_287 = arith.constant 1 : i32
        %parallel_loop3A_288 = vector.broadcast %parallel_loop3A_287 : i32 to vector<16xi32>
        %parallel_loop3A_289 = arith.shli %parallel_loop3A_282, %parallel_loop3A_288 : vector<16xi32>
        %parallel_loop3A_290 = arith.constant 2 : i32
        %parallel_loop3A_291 = arith.muli %parallel_loop3A_290, %parallel_loop3A_275 : i32
        %parallel_loop3A_292 = arith.addi %parallel_loop3A_291, %parallel_loop3A_277 : i32
        %parallel_loop3A_293 = vector.broadcast %parallel_loop3A_292 : i32 to vector<16xi32>
        %parallel_loop3A_294 = arith.addi %parallel_loop3A_289, %parallel_loop3A_293 : vector<16xi32>
        %parallel_loop3A_295 = tpu.vector_load_idx %arg7[%parallel_loop3A_286, %parallel_loop3A_294] : memref<64x256xf32, #tpu.memory_space<vmem>>[vector<16xi32>, vector<16xi32>], vector<16xf32>,
        %parallel_loop3A_296 = vector.broadcast %parallel_loop3A_275 : i32 to vector<16xi32>
        %parallel_loop3A_297 = arith.addi %parallel_loop3A_296, %parallel_loop3A_282 : vector<16xi32>
        %parallel_loop3A_298 = arith.constant 16 : i32
        %parallel_loop3A_299 = arith.muli %parallel_loop3A_298, %parallel_loop3A_269 : i32
        %parallel_loop3A_300 = arith.constant 64 : i32
        %parallel_loop3A_301 = arith.muli %parallel_loop3A_300, %parallel_loop3A_277 : i32
        %parallel_loop3A_302 = arith.addi %parallel_loop3A_299, %parallel_loop3A_301 : i32
        %parallel_loop3A_303 = vector.broadcast %parallel_loop3A_302 : i32 to vector<16xi32>
        %parallel_loop3A_304 = arith.addi %parallel_loop3A_303, %iota3A : vector<16xi32>
        %parallel_loop3A_305 = arith.constant 8.000000e+00 : f32
        %parallel_loop3A_306 = vector.broadcast %parallel_loop3A_305 : f32 to vector<16xf32>
        %parallel_loop3A_307 = arith.mulf %parallel_loop3A_295, %parallel_loop3A_306 : vector<16xf32>
        tpu.vector_store_idx %arg9[%parallel_loop3A_297, %parallel_loop3A_304], %parallel_loop3A_307 : memref<128x128xf32, #tpu.memory_space<vmem>>[vector<16xi32>, vector<16xi32>], vector<16xf32>,
      } {sc.loop_unroll_factor = 4 : i64, sc.parallel_access}
      %mul3A_198 = arith.constant 128 : i32
      %mul3A_199 = arith.muli %min3A_182, %mul3A_198 : i32
      %dma_start3A_200 = arith.constant 0 : i32
      %dma_start3A_201 = tpu.memref_slice %arg4[%mul3A_199, %dma_start3A_200] : memref<500000x128xf32, #tpu.memory_space<hbm>> -> memref<128x128xf32, #tpu.memory_space<hbm>>
      %dma_start3A_202 = arith.constant 0 : i32
      %dma_start3A_203 = tpu.memref_slice %arg4[%mul3A_199, %dma_start3A_202] : memref<500000x128xf32, #tpu.memory_space<hbm>> -> memref<128x128xf32, #tpu.memory_space<hbm>>
      tpu.enqueue_dma source(%arg9 : memref<128x128xf32, #tpu.memory_space<vmem>>) target(%dma_start3A_203 : memref<128x128xf32, #tpu.memory_space<hbm>>) target_semaphore(%arg15 : memref<!tpu.dma_semaphore, #tpu.memory_space<semaphore_mem>>)
      %add3A_204 = arith.constant 1 : i32
      %add3A_205 = arith.addi %scan3A_92, %add3A_204 : i32
      %mul3A_206 = arith.constant 4 : i32
      %mul3A_207 = arith.muli %mul3A_206, %add3A_205 : i32
      %add3A_208 = arith.addi %mul3A_2, %mul3A_207 : i32
      %add3A_209 = arith.constant 2 : i32
      %add3A_210 = arith.addi %add3A_208, %add3A_209 : i32
      %min3A_211 = arith.constant 3905 : i32
      %min3A_212 = arith.minsi %add3A_210, %min3A_211 : i32
      %mul3A_213 = arith.constant 256 : i32
      %mul3A_214 = arith.muli %min3A_212, %mul3A_213 : i32
      %dma_start3A_215 = arith.constant 0 : i32
      %dma_start3A_216 = tpu.memref_slice %arg2[%dma_start3A_215, %mul3A_214] : memref<64x1000000xf32, #tpu.memory_space<hbm>> -> memref<64x256xf32, #tpu.memory_space<hbm>>
      %dma_start3A_217 = arith.constant 0 : i32
      %dma_start3A_218 = tpu.memref_slice %arg2[%dma_start3A_217, %mul3A_214] : memref<64x1000000xf32, #tpu.memory_space<hbm>> -> memref<64x256xf32, #tpu.memory_space<hbm>>
      tpu.enqueue_dma source(%dma_start3A_218 : memref<64x256xf32, #tpu.memory_space<hbm>>) target(%arg7 : memref<64x256xf32, #tpu.memory_space<vmem>>) target_semaphore(%arg13 : memref<!tpu.dma_semaphore, #tpu.memory_space<semaphore_mem>>)
      %mul3A_219 = arith.constant 4 : i32
      %mul3A_220 = arith.muli %mul3A_219, %scan3A_92 : i32
      %add3A_221 = arith.addi %mul3A_2, %mul3A_220 : i32
      %add3A_222 = arith.constant 3 : i32
      %add3A_223 = arith.addi %add3A_221, %add3A_222 : i32
      %min3A_224 = arith.constant 3905 : i32
      %min3A_225 = arith.minsi %add3A_223, %min3A_224 : i32
      %mul3A_226 = arith.constant 256 : i32
      %mul3A_227 = arith.muli %min3A_225, %mul3A_226 : i32
      %dma_wait3A_228 = arith.constant 0 : i32
      %dma_wait3A_229 = tpu.memref_slice %arg2[%dma_wait3A_228, %mul3A_227] : memref<64x1000000xf32, #tpu.memory_space<hbm>> -> memref<64x256xf32, #tpu.memory_space<hbm>>
      %dma_wait3A_230 = arith.constant 0 : i32
      %dma_wait3A_231 = tpu.memref_slice %arg2[%dma_wait3A_230, %mul3A_227] : memref<64x1000000xf32, #tpu.memory_space<hbm>> -> memref<64x256xf32, #tpu.memory_space<hbm>>
      tpu.wait_dma2 semaphore(%arg14 : memref<!tpu.dma_semaphore, #tpu.memory_space<semaphore_mem>>) src(%dma_wait3A_231 : memref<64x256xf32, #tpu.memory_space<hbm>>) dst(%arg8 : memref<64x256xf32, #tpu.memory_space<vmem>>)
      %mul3A_232 = arith.constant 128 : i32
      %mul3A_233 = arith.muli %min3A_225, %mul3A_232 : i32
      %dma_wait3A_234 = arith.constant 0 : i32
      %dma_wait3A_235 = tpu.memref_slice %arg4[%mul3A_233, %dma_wait3A_234] : memref<500000x128xf32, #tpu.memory_space<hbm>> -> memref<128x128xf32, #tpu.memory_space<hbm>>
      %dma_wait3A_236 = arith.constant 0 : i32
      %dma_wait3A_237 = tpu.memref_slice %arg4[%mul3A_233, %dma_wait3A_236] : memref<500000x128xf32, #tpu.memory_space<hbm>> -> memref<128x128xf32, #tpu.memory_space<hbm>>
      tpu.wait_dma2 semaphore(%arg16 : memref<!tpu.dma_semaphore, #tpu.memory_space<semaphore_mem>>) src(%arg10 : memref<128x128xf32, #tpu.memory_space<vmem>>) dst(%dma_wait3A_237 : memref<128x128xf32, #tpu.memory_space<hbm>>)
      %parallel_loop3A_238 = arith.constant 0 : i32
      %parallel_loop3A_239 = arith.constant 1024 : i32
      %parallel_loop3A_240 = arith.constant 1 : i32
      scf.for %parallel_loop3A_263 = %parallel_loop3A_238 to %parallel_loop3A_239 step %parallel_loop3A_240  : i32 {
        %parallel_loop3A_264 = arith.constant 15 : i32
        %parallel_loop3A_265 = arith.andi %parallel_loop3A_263, %parallel_loop3A_264 : i32
        %parallel_loop3A_266 = arith.constant 4 : i32
        %parallel_loop3A_267 = arith.shrsi %parallel_loop3A_263, %parallel_loop3A_266 : i32
        %parallel_loop3A_268 = arith.constant 3 : i32
        %parallel_loop3A_269 = arith.andi %parallel_loop3A_267, %parallel_loop3A_268 : i32
        %parallel_loop3A_270 = arith.constant 6 : i32
        %parallel_loop3A_271 = arith.shrsi %parallel_loop3A_263, %parallel_loop3A_270 : i32
        %parallel_loop3A_272 = arith.constant 7 : i32
        %parallel_loop3A_273 = arith.andi %parallel_loop3A_271, %parallel_loop3A_272 : i32
        %parallel_loop3A_274 = arith.constant 16 : i32
        %parallel_loop3A_275 = arith.muli %parallel_loop3A_273, %parallel_loop3A_274 : i32
        %parallel_loop3A_276 = arith.constant 9 : i32
        %parallel_loop3A_277 = arith.shrsi %parallel_loop3A_263, %parallel_loop3A_276 : i32
        %parallel_loop3A_278 = vector.broadcast %parallel_loop3A_265 : i32 to vector<16xi32>
        %parallel_loop3A_279 = arith.addi %parallel_loop3A_278, %iota3A : vector<16xi32>
        %parallel_loop3A_280 = arith.constant 15 : i32
        %parallel_loop3A_281 = vector.broadcast %parallel_loop3A_280 : i32 to vector<16xi32>
        %parallel_loop3A_282 = arith.andi %parallel_loop3A_279, %parallel_loop3A_281 : vector<16xi32>
        %parallel_loop3A_283 = arith.constant 16 : i32
        %parallel_loop3A_284 = arith.muli %parallel_loop3A_283, %parallel_loop3A_269 : i32
        %parallel_loop3A_285 = vector.broadcast %parallel_loop3A_284 : i32 to vector<16xi32>
        %parallel_loop3A_286 = arith.addi %parallel_loop3A_285, %iota3A : vector<16xi32>
        %parallel_loop3A_287 = arith.constant 1 : i32
        %parallel_loop3A_288 = vector.broadcast %parallel_loop3A_287 : i32 to vector<16xi32>
        %parallel_loop3A_289 = arith.shli %parallel_loop3A_282, %parallel_loop3A_288 : vector<16xi32>
        %parallel_loop3A_290 = arith.constant 2 : i32
        %parallel_loop3A_291 = arith.muli %parallel_loop3A_290, %parallel_loop3A_275 : i32
        %parallel_loop3A_292 = arith.addi %parallel_loop3A_291, %parallel_loop3A_277 : i32
        %parallel_loop3A_293 = vector.broadcast %parallel_loop3A_292 : i32 to vector<16xi32>
        %parallel_loop3A_294 = arith.addi %parallel_loop3A_289, %parallel_loop3A_293 : vector<16xi32>
        %parallel_loop3A_295 = tpu.vector_load_idx %arg8[%parallel_loop3A_286, %parallel_loop3A_294] : memref<64x256xf32, #tpu.memory_space<vmem>>[vector<16xi32>, vector<16xi32>], vector<16xf32>,
        %parallel_loop3A_296 = vector.broadcast %parallel_loop3A_275 : i32 to vector<16xi32>
        %parallel_loop3A_297 = arith.addi %parallel_loop3A_296, %parallel_loop3A_282 : vector<16xi32>
        %parallel_loop3A_298 = arith.constant 16 : i32
        %parallel_loop3A_299 = arith.muli %parallel_loop3A_298, %parallel_loop3A_269 : i32
        %parallel_loop3A_300 = arith.constant 64 : i32
        %parallel_loop3A_301 = arith.muli %parallel_loop3A_300, %parallel_loop3A_277 : i32
        %parallel_loop3A_302 = arith.addi %parallel_loop3A_299, %parallel_loop3A_301 : i32
        %parallel_loop3A_303 = vector.broadcast %parallel_loop3A_302 : i32 to vector<16xi32>
        %parallel_loop3A_304 = arith.addi %parallel_loop3A_303, %iota3A : vector<16xi32>
        %parallel_loop3A_305 = arith.constant 8.000000e+00 : f32
        %parallel_loop3A_306 = vector.broadcast %parallel_loop3A_305 : f32 to vector<16xf32>
        %parallel_loop3A_307 = arith.mulf %parallel_loop3A_295, %parallel_loop3A_306 : vector<16xf32>
        tpu.vector_store_idx %arg10[%parallel_loop3A_297, %parallel_loop3A_304], %parallel_loop3A_307 : memref<128x128xf32, #tpu.memory_space<vmem>>[vector<16xi32>, vector<16xi32>], vector<16xf32>,
      } {sc.loop_unroll_factor = 4 : i64, sc.parallel_access}
      %mul3A_241 = arith.constant 128 : i32
      %mul3A_242 = arith.muli %min3A_225, %mul3A_241 : i32
      %dma_start3A_243 = arith.constant 0 : i32
      %dma_start3A_244 = tpu.memref_slice %arg4[%mul3A_242, %dma_start3A_243] : memref<500000x128xf32, #tpu.memory_space<hbm>> -> memref<128x128xf32, #tpu.memory_space<hbm>>
      %dma_start3A_245 = arith.constant 0 : i32
      %dma_start3A_246 = tpu.memref_slice %arg4[%mul3A_242, %dma_start3A_245] : memref<500000x128xf32, #tpu.memory_space<hbm>> -> memref<128x128xf32, #tpu.memory_space<hbm>>
      tpu.enqueue_dma source(%arg10 : memref<128x128xf32, #tpu.memory_space<vmem>>) target(%dma_start3A_246 : memref<128x128xf32, #tpu.memory_space<hbm>>) target_semaphore(%arg16 : memref<!tpu.dma_semaphore, #tpu.memory_space<semaphore_mem>>)
      %add3A_247 = arith.constant 1 : i32
      %add3A_248 = arith.addi %scan3A_92, %add3A_247 : i32
      %mul3A_249 = arith.constant 4 : i32
      %mul3A_250 = arith.muli %mul3A_249, %add3A_248 : i32
      %add3A_251 = arith.addi %mul3A_2, %mul3A_250 : i32
      %add3A_252 = arith.constant 3 : i32
      %add3A_253 = arith.addi %add3A_251, %add3A_252 : i32
      %min3A_254 = arith.constant 3905 : i32
      %min3A_255 = arith.minsi %add3A_253, %min3A_254 : i32
      %mul3A_256 = arith.constant 256 : i32
      %mul3A_257 = arith.muli %min3A_255, %mul3A_256 : i32
      %dma_start3A_258 = arith.constant 0 : i32
      %dma_start3A_259 = tpu.memref_slice %arg2[%dma_start3A_258, %mul3A_257] : memref<64x1000000xf32, #tpu.memory_space<hbm>> -> memref<64x256xf32, #tpu.memory_space<hbm>>
      %dma_start3A_260 = arith.constant 0 : i32
      %dma_start3A_261 = tpu.memref_slice %arg2[%dma_start3A_260, %mul3A_257] : memref<64x1000000xf32, #tpu.memory_space<hbm>> -> memref<64x256xf32, #tpu.memory_space<hbm>>
      tpu.enqueue_dma source(%dma_start3A_261 : memref<64x256xf32, #tpu.memory_space<hbm>>) target(%arg8 : memref<64x256xf32, #tpu.memory_space<vmem>>) target_semaphore(%arg14 : memref<!tpu.dma_semaphore, #tpu.memory_space<semaphore_mem>>)
      %scan3A_262 = arith.constant 0 : i32
      scf.yield %scan3A_262 : i32
    }
    %scan3A_54 = arith.constant 31 : i32
    %dma_wait3A = arith.constant 0 : i32
    %dma_wait3A_55 = arith.constant 999680 : i32
    %dma_wait3A_56 = tpu.memref_slice %arg2[%dma_wait3A, %dma_wait3A_55] : memref<64x1000000xf32, #tpu.memory_space<hbm>> -> memref<64x256xf32, #tpu.memory_space<hbm>>
    %dma_wait3A_57 = arith.constant 0 : i32
    %dma_wait3A_58 = arith.constant 999680 : i32
    %dma_wait3A_59 = tpu.memref_slice %arg2[%dma_wait3A_57, %dma_wait3A_58] : memref<64x1000000xf32, #tpu.memory_space<hbm>> -> memref<64x256xf32, #tpu.memory_space<hbm>>
    tpu.wait_dma2 semaphore(%arg11 : memref<!tpu.dma_semaphore, #tpu.memory_space<semaphore_mem>>) src(%dma_wait3A_59 : memref<64x256xf32, #tpu.memory_space<hbm>>) dst(%arg5 : memref<64x256xf32, #tpu.memory_space<vmem>>)
    %dma_wait3A_60 = arith.constant 0 : i32
    %dma_wait3A_61 = arith.constant 999680 : i32
    %dma_wait3A_62 = tpu.memref_slice %arg2[%dma_wait3A_60, %dma_wait3A_61] : memref<64x1000000xf32, #tpu.memory_space<hbm>> -> memref<64x256xf32, #tpu.memory_space<hbm>>
    %dma_wait3A_63 = arith.constant 0 : i32
    %dma_wait3A_64 = arith.constant 999680 : i32
    %dma_wait3A_65 = tpu.memref_slice %arg2[%dma_wait3A_63, %dma_wait3A_64] : memref<64x1000000xf32, #tpu.memory_space<hbm>> -> memref<64x256xf32, #tpu.memory_space<hbm>>
    tpu.wait_dma2 semaphore(%arg12 : memref<!tpu.dma_semaphore, #tpu.memory_space<semaphore_mem>>) src(%dma_wait3A_65 : memref<64x256xf32, #tpu.memory_space<hbm>>) dst(%arg6 : memref<64x256xf32, #tpu.memory_space<vmem>>)
    %dma_wait3A_66 = arith.constant 0 : i32
    %dma_wait3A_67 = arith.constant 999680 : i32
    %dma_wait3A_68 = tpu.memref_slice %arg2[%dma_wait3A_66, %dma_wait3A_67] : memref<64x1000000xf32, #tpu.memory_space<hbm>> -> memref<64x256xf32, #tpu.memory_space<hbm>>
    %dma_wait3A_69 = arith.constant 0 : i32
    %dma_wait3A_70 = arith.constant 999680 : i32
    %dma_wait3A_71 = tpu.memref_slice %arg2[%dma_wait3A_69, %dma_wait3A_70] : memref<64x1000000xf32, #tpu.memory_space<hbm>> -> memref<64x256xf32, #tpu.memory_space<hbm>>
    tpu.wait_dma2 semaphore(%arg13 : memref<!tpu.dma_semaphore, #tpu.memory_space<semaphore_mem>>) src(%dma_wait3A_71 : memref<64x256xf32, #tpu.memory_space<hbm>>) dst(%arg7 : memref<64x256xf32, #tpu.memory_space<vmem>>)
    %dma_wait3A_72 = arith.constant 0 : i32
    %dma_wait3A_73 = arith.constant 999680 : i32
    %dma_wait3A_74 = tpu.memref_slice %arg2[%dma_wait3A_72, %dma_wait3A_73] : memref<64x1000000xf32, #tpu.memory_space<hbm>> -> memref<64x256xf32, #tpu.memory_space<hbm>>
    %dma_wait3A_75 = arith.constant 0 : i32
    %dma_wait3A_76 = arith.constant 999680 : i32
    %dma_wait3A_77 = tpu.memref_slice %arg2[%dma_wait3A_75, %dma_wait3A_76] : memref<64x1000000xf32, #tpu.memory_space<hbm>> -> memref<64x256xf32, #tpu.memory_space<hbm>>
    tpu.wait_dma2 semaphore(%arg14 : memref<!tpu.dma_semaphore, #tpu.memory_space<semaphore_mem>>) src(%dma_wait3A_77 : memref<64x256xf32, #tpu.memory_space<hbm>>) dst(%arg8 : memref<64x256xf32, #tpu.memory_space<vmem>>)
    %dma_wait3A_78 = arith.constant 499840 : i32
    %dma_wait3A_79 = arith.constant 0 : i32
    %dma_wait3A_80 = tpu.memref_slice %arg4[%dma_wait3A_78, %dma_wait3A_79] : memref<500000x128xf32, #tpu.memory_space<hbm>> -> memref<128x128xf32, #tpu.memory_space<hbm>>
    %dma_wait3A_81 = arith.constant 499840 : i32
    %dma_wait3A_82 = arith.constant 0 : i32
    %dma_wait3A_83 = tpu.memref_slice %arg4[%dma_wait3A_81, %dma_wait3A_82] : memref<500000x128xf32, #tpu.memory_space<hbm>> -> memref<128x128xf32, #tpu.memory_space<hbm>>
    tpu.wait_dma2 semaphore(%arg15 : memref<!tpu.dma_semaphore, #tpu.memory_space<semaphore_mem>>) src(%arg9 : memref<128x128xf32, #tpu.memory_space<vmem>>) dst(%dma_wait3A_83 : memref<128x128xf32, #tpu.memory_space<hbm>>)
    %dma_wait3A_84 = arith.constant 499840 : i32
    %dma_wait3A_85 = arith.constant 0 : i32
    %dma_wait3A_86 = tpu.memref_slice %arg4[%dma_wait3A_84, %dma_wait3A_85] : memref<500000x128xf32, #tpu.memory_space<hbm>> -> memref<128x128xf32, #tpu.memory_space<hbm>>
    %dma_wait3A_87 = arith.constant 499840 : i32
    %dma_wait3A_88 = arith.constant 0 : i32
    %dma_wait3A_89 = tpu.memref_slice %arg4[%dma_wait3A_87, %dma_wait3A_88] : memref<500000x128xf32, #tpu.memory_space<hbm>> -> memref<128x128xf32, #tpu.memory_space<hbm>>
    tpu.wait_dma2 semaphore(%arg16 : memref<!tpu.dma_semaphore, #tpu.memory_space<semaphore_mem>>) src(%arg10 : memref<128x128xf32, #tpu.memory_space<vmem>>) dst(%dma_wait3A_89 : memref<128x128xf32, #tpu.memory_space<hbm>>)
    %eq3A = arith.constant 31 : i32
    %eq3A_90 = arith.cmpi eq, %add3A, %eq3A : i32
    %convert_element_type3A = arith.extui %eq3A_90 : i1 to i32
    %cond3A = arith.constant 0 : i32
    %cond3A_91 = arith.cmpi ne, %convert_element_type3A, %cond3A : i32
    scf.if %cond3A_91 {
      "tpu.region"() ({
        %run_scoped3A = tpu.sem_alloc : memref<!tpu.dma_semaphore, #tpu.memory_space<semaphore_mem>>
        %dma_start3A_92 = arith.constant 0 : i32
        %dma_start3A_93 = arith.constant 0 : i32
        %dma_start3A_94 = tpu.memref_slice %arg5[%dma_start3A_92, %dma_start3A_93] : memref<64x256xf32, #tpu.memory_space<vmem>> -> memref<32x128xf32, #tpu.memory_space<vmem>>
        %dma_start3A_95 = arith.constant 0 : i32
        %dma_start3A_96 = arith.constant 0 : i32
        %dma_start3A_97 = tpu.memref_slice %arg5[%dma_start3A_95, %dma_start3A_96] : memref<64x256xf32, #tpu.memory_space<vmem>> -> memref<32x128xf32, #tpu.memory_space<vmem>>
        tpu.enqueue_dma source(%arg3 : memref<32x128xf32, #tpu.memory_space<hbm>>) target(%dma_start3A_97 : memref<32x128xf32, #tpu.memory_space<vmem>>) target_semaphore(%run_scoped3A : memref<!tpu.dma_semaphore, #tpu.memory_space<semaphore_mem>>)
        %dma_wait3A_98 = arith.constant 0 : i32
        %dma_wait3A_99 = arith.constant 0 : i32
        %dma_wait3A_100 = tpu.memref_slice %arg5[%dma_wait3A_98, %dma_wait3A_99] : memref<64x256xf32, #tpu.memory_space<vmem>> -> memref<32x128xf32, #tpu.memory_space<vmem>>
        %dma_wait3A_101 = arith.constant 0 : i32
        %dma_wait3A_102 = arith.constant 0 : i32
        %dma_wait3A_103 = tpu.memref_slice %arg5[%dma_wait3A_101, %dma_wait3A_102] : memref<64x256xf32, #tpu.memory_space<vmem>> -> memref<32x128xf32, #tpu.memory_space<vmem>>
        tpu.wait_dma2 semaphore(%run_scoped3A : memref<!tpu.dma_semaphore, #tpu.memory_space<semaphore_mem>>) src(%arg3 : memref<32x128xf32, #tpu.memory_space<hbm>>) dst(%dma_wait3A_103 : memref<32x128xf32, #tpu.memory_space<vmem>>)
        tpu.yield
      }) : () -> ()
      "tpu.region"() ({
        %run_scoped3A = tpu.sem_alloc : memref<!tpu.dma_semaphore, #tpu.memory_space<semaphore_mem>>
        %dma_start3A_92 = arith.constant 0 : i32
        %dma_start3A_93 = arith.constant 0 : i32
        %dma_start3A_94 = tpu.memref_slice %arg5[%dma_start3A_92, %dma_start3A_93] : memref<64x256xf32, #tpu.memory_space<vmem>> -> memref<32x128xf32, #tpu.memory_space<vmem>>
        %dma_start3A_95 = arith.constant 499968 : i32
        %dma_start3A_96 = arith.constant 0 : i32
        %dma_start3A_97 = tpu.memref_slice %arg4[%dma_start3A_95, %dma_start3A_96] : memref<500000x128xf32, #tpu.memory_space<hbm>> -> memref<32x128xf32, #tpu.memory_space<hbm>>
        %dma_start3A_98 = arith.constant 499968 : i32
        %dma_start3A_99 = arith.constant 0 : i32
        %dma_start3A_100 = tpu.memref_slice %arg4[%dma_start3A_98, %dma_start3A_99] : memref<500000x128xf32, #tpu.memory_space<hbm>> -> memref<32x128xf32, #tpu.memory_space<hbm>>
        %dma_start3A_101 = arith.constant 0 : i32
        %dma_start3A_102 = arith.constant 0 : i32
        %dma_start3A_103 = tpu.memref_slice %arg5[%dma_start3A_101, %dma_start3A_102] : memref<64x256xf32, #tpu.memory_space<vmem>> -> memref<32x128xf32, #tpu.memory_space<vmem>>
        tpu.enqueue_dma source(%dma_start3A_103 : memref<32x128xf32, #tpu.memory_space<vmem>>) target(%dma_start3A_100 : memref<32x128xf32, #tpu.memory_space<hbm>>) target_semaphore(%run_scoped3A : memref<!tpu.dma_semaphore, #tpu.memory_space<semaphore_mem>>)
        %dma_wait3A_104 = arith.constant 0 : i32
        %dma_wait3A_105 = arith.constant 0 : i32
        %dma_wait3A_106 = tpu.memref_slice %arg5[%dma_wait3A_104, %dma_wait3A_105] : memref<64x256xf32, #tpu.memory_space<vmem>> -> memref<32x128xf32, #tpu.memory_space<vmem>>
        %dma_wait3A_107 = arith.constant 499968 : i32
        %dma_wait3A_108 = arith.constant 0 : i32
        %dma_wait3A_109 = tpu.memref_slice %arg4[%dma_wait3A_107, %dma_wait3A_108] : memref<500000x128xf32, #tpu.memory_space<hbm>> -> memref<32x128xf32, #tpu.memory_space<hbm>>
        %dma_wait3A_110 = arith.constant 499968 : i32
        %dma_wait3A_111 = arith.constant 0 : i32
        %dma_wait3A_112 = tpu.memref_slice %arg4[%dma_wait3A_110, %dma_wait3A_111] : memref<500000x128xf32, #tpu.memory_space<hbm>> -> memref<32x128xf32, #tpu.memory_space<hbm>>
        %dma_wait3A_113 = arith.constant 0 : i32
        %dma_wait3A_114 = arith.constant 0 : i32
        %dma_wait3A_115 = tpu.memref_slice %arg5[%dma_wait3A_113, %dma_wait3A_114] : memref<64x256xf32, #tpu.memory_space<vmem>> -> memref<32x128xf32, #tpu.memory_space<vmem>>
        tpu.wait_dma2 semaphore(%run_scoped3A : memref<!tpu.dma_semaphore, #tpu.memory_space<semaphore_mem>>) src(%dma_wait3A_115 : memref<32x128xf32, #tpu.memory_space<vmem>>) dst(%dma_wait3A_112 : memref<32x128xf32, #tpu.memory_space<hbm>>)
        tpu.yield
      }) : () -> ()
    } else {
    }
    return
  }
}

</mosaic_0001>

<sc_bundles>
// kernel: _reformat.3.cloned.1.call-start
scs
__scs_entry_jumppad:
0x0: {  	(pc) =	sbr.rel $0x88, $3  }
0x1: {  	(tag) =	ssettag $0x0;
	lr =	simm.s32 $0x1  }
0x2: {  	[smem:$0x3F9F] =	sst lr;
	_ =	strace $0xD0000000  }
0x3: {  	_ = 	snop  }
0x4: {  	_ = 	snop  }
0x5: {  	_ = 	snop  }
0x6: {  	_ = 	snop  }
0x7: {  	_ = 	snop  }
__scs_overlays_trampoline_lowered:
0x8: {  	[smem:$0x3FAE] =	sst s0  }
0x9: {  	[smem:$0x3FAF] =	sst s1  }
0xa: {  	[smem:$0x3FB0] =	sst s2  }
0xb: {  	[smem:$0x3FB1] =	sst s3  }
0xc: {  	[smem:$0x3FB2] =	sst s4  }
0xd: {  	[smem:$0x3FB3] =	sst s5  }
0xe: {  	[smem:$0x3FB4] =	sst s6  }
0xf: {  	[smem:$0x3FB5] =	sst s7  }
0x10: {  	[smem:$0x3FB6] =	sst s8  }
0x11: {  	[smem:$0x3FB7] =	sst s9;
	s0 =	simm.s32 @!p0 $0x0  }
0x12: {  	s1 =	sld [smem:$0x3F9D];
	s0 =	simm.s32 @p0 $0x1  }
0x13: {  	[smem:$0x3FB8] =	sst s0;
	s0 =	simm.s32 @!p1 $0x0  }
0x14: {  	s2 =	sld [smem:$0x3F9C];
	s0 =	simm.s32 @p1 $0x1  }
0x15: {  	[smem:$0x3FB9] =	sst s0;
	s0 =	simm.s32 @!p2 $0x0  }
0x16: {  	s3 =	sld [smem:$0x3FDB];
	s0 =	simm.s32 @p2 $0x1  }
0x17: {  	s4 =	simm.s32 $0x1BF5;
	[smem:$0x3FBB] =	sst s0  }
0x18: {  	s0 =	sld [smem:$0x3F9E];
	_ =	swait.ge [sflag:s4], $0x0  }
0x19: {  	s7 =	sld [smem:$0x3F9F]  }
0x1a: {  	s8 =	sadd.s32 $0xFFFFE003, lr  }
0x1b: {  	s9 =	sadd.s32 $0xFFFFFEF7, lr;
	s5 =	simm.s32 $0xFFFFFFFF;
	p2 =	slt.u32 s8, $0xFFFFF086  }
0x1c: {  	p1 =	slt.u32 s9, $0xF7A;
	s5 =	simm.s32 @!p2 $0x0  }
0x1d: {  	s5 =	simm.s32 @p1 $0x1;
	p0 =	seq.s32 s7, s2  }
0x1e: {  	s7 =	smul.u32 @!p0 $0xF7A, s2;
	p2 =	seq.s32 @!p0 s5, $0x0  }
0x1f: {  	s9 =	smul.u32 $0xF7A, s1;
	s8 =	simm.s32 @!p0 $0x1BF5;
	p2 =	por !p2, p0  }
0x20: {  	[sflag:s8] =	ssyncset.s32 @!p0 $0xFFFFF086;
	s6 =	sadd.s32 @!p0 s3, s7;
	s7 =	simm.s32 @!p0 $0x108  }
0x21: {  	s3 =	sadd.s32 s3, s9;
	s6 =	sadd.s32 @!p0 $0x88, s6;
	s7 =	simm.s32 @p2 $0x1082  }
0x22: {  	[simem:s7], [sflag:s8] =	dma.local @!p0 [hbm:s6], $0xF7A  }
0x23: {  	s9 =	sor.u32 $0xD0000000, s2;
	s6 =	simm.s32 $0x108;
	_ =	swait.ge @!p0 [sflag:s8], $0x0  }
0x24: {  	s3 =	sadd.s32 $0x88, s3;
	s6 =	simm.s32 @!p1 $0x1082;
	[sflag:s4] =	ssyncset.s32 $0xFFFFF086  }
0x25: {  	[simem:s6], [sflag:s4] =	dma.local [hbm:s3], $0xF7A  }
0x26: {  	[smem:$0x3F9F] =	sst s1;
	(tag) =	ssettag s2;
	_ =	strace s9  }
0x27: {  	s1 =	sld [smem:$0x3FAF]  }
0x28: {  	s2 =	sld [smem:$0x3FB0]  }
0x29: {  	s4 =	sld [smem:$0x3FB2]  }
0x2a: {  	p0 =	seq.s32 s5, $0x0;
	s5 =	sld [smem:$0x3FB3]  }
0x2b: {  	s6 =	sld [smem:$0x3FB4]  }
0x2c: {  	s7 =	sld [smem:$0x3FB5]  }
0x2d: {  	s3 =	simm.s32 $0x108;
	s8 =	sld [smem:$0x3FB6]  }
0x2e: {  	s3 =	simm.s32 @!p0 $0x1082;
	s9 =	sld [smem:$0x3FB7]  }
0x2f: {  	lr =	sadd.s32 s0, s3;
	s0 =	sld [smem:$0x3FAE]  }
0x30: {  	s3 =	sld [smem:$0x3FB1]  }
0x31: {  	[smem:$0x3FBA] =	sst s10  }
0x32: {  	s10 =	sld [smem:$0x3FB8];
	_ =	sdelay $0x3  }
0x33: {  	p0 =	seq.s32 s10, $0x1;
	s10 =	sld [smem:$0x3FBA];
	_ =	sdelay $0x3  }
0x34: {  	[smem:$0x3FBA] =	sst s10  }
0x35: {  	s10 =	sld [smem:$0x3FB9];
	_ =	sdelay $0x3  }
0x36: {  	p1 =	seq.s32 s10, $0x1;
	s10 =	sld [smem:$0x3FBA];
	_ =	sdelay $0x3  }
0x37: {  	[smem:$0x3FBA] =	sst s10  }
0x38: {  	s10 =	sld [smem:$0x3FBB]  }
0x39: {  	_ = 	snop;
	(pc) =	sbr.ind lr, $3  }
0x3a: {  	_ = 	snop  }
0x3b: {  	_ = 	snop  }
0x3c: {  	p2 =	seq.s32 s10, $0x1;
	s10 =	sld [smem:$0x3FBA]  }
0x3d: {  	_ =	shalt  }
0x3e: {  	_ =	shalt  }
0x3f: {  	_ =	shalt  }
0x40: {  	_ =	shalt  }
0x41: {  	_ =	shalt  }
0x42: {  	_ =	shalt  }
0x43: {  	_ =	shalt  }
0x44: {  	_ =	shalt  }
0x45: {  	_ =	shalt  }
0x46: {  	_ =	shalt  }
0x47: {  	_ =	shalt  }
0x48: {  	_ =	shalt  }
0x49: {  	_ =	shalt  }
0x4a: {  	_ =	shalt  }
0x4b: {  	_ =	shalt  }
0x4c: {  	_ =	shalt  }
0x4d: {  	_ =	shalt  }
0x4e: {  	_ =	shalt  }
0x4f: {  	_ =	shalt  }
0x50: {  	_ =	shalt  }
0x51: {  	_ =	shalt  }
0x52: {  	_ =	shalt  }
0x53: {  	_ =	shalt  }
0x54: {  	_ =	shalt  }
0x55: {  	_ =	shalt  }
0x56: {  	_ =	shalt  }
0x57: {  	_ =	shalt  }
0x58: {  	_ =	shalt  }
0x59: {  	_ =	shalt  }
0x5a: {  	_ =	shalt  }
0x5b: {  	_ =	shalt  }
0x5c: {  	_ =	shalt  }
0x5d: {  	_ =	shalt  }
0x5e: {  	_ =	shalt  }
0x5f: {  	_ =	shalt  }
0x60: {  	_ =	shalt  }
0x61: {  	_ =	shalt  }
0x62: {  	_ =	shalt  }
0x63: {  	_ =	shalt  }
0x64: {  	_ =	shalt  }
0x65: {  	_ =	shalt  }
0x66: {  	_ =	shalt  }
0x67: {  	_ =	shalt  }
0x68: {  	_ =	shalt  }
0x69: {  	_ =	shalt  }
0x6a: {  	_ =	shalt  }
0x6b: {  	_ =	shalt  }
0x6c: {  	_ =	shalt  }
0x6d: {  	_ =	shalt  }
0x6e: {  	_ =	shalt  }
0x6f: {  	_ =	shalt  }
0x70: {  	_ =	shalt  }
0x71: {  	_ =	shalt  }
0x72: {  	_ =	shalt  }
0x73: {  	_ =	shalt  }
0x74: {  	_ =	shalt  }
0x75: {  	_ =	shalt  }
0x76: {  	_ =	shalt  }
0x77: {  	_ =	shalt  }
0x78: {  	_ =	shalt  }
0x79: {  	_ =	shalt  }
0x7a: {  	_ =	shalt  }
0x7b: {  	_ =	shalt  }
0x7c: {  	_ =	shalt  }
0x7d: {  	_ =	shalt  }
0x7e: {  	_ =	shalt  }
0x7f: {  	_ =	shalt  }
0x80: {  	_ =	shalt  }
0x81: {  	_ =	shalt  }
0x82: {  	_ =	shalt  }
0x83: {  	_ =	shalt  }
0x84: {  	_ =	shalt  }
0x85: {  	_ =	shalt  }
0x86: {  	_ =	shalt  }
0x87: {  	_ =	shalt  }
.Lfunc_end0:
.L_simem_size_0:
called_computation_lowered:
.L_overlay_start_0:
0x88: {  	s2 =	sld [smem:$0x3FD9]  }
0x89: {  	s3 =	sld [smem:$0x3FFE];
	_ =	sdelay $0x1  }
0x8a: {  	s1 =	srdreg.scid  }
0x8b: {  	s0 =	sand.u32 $0x1, s1  }
0x8c: {  	s18 =	sshll.u32 s0, $0xA;
	s2 =	sadd.s32 s3, s2  }
0x8d: {  	s2 =	sadd.s32 s2, s18  }
0x8e: {  	[smem:$0x3FC6] =	sst s2  }
0x8f: {  	_ = 	snop  }
0x90: {  	s2 =	sld [smem:$0x3FC9]  }
0x91: {  	s19 =	sld [smem:$0x3FC8]  }
0x92: {  	s4 =	sld [smem:$0x3FD0];
	(tm) =	ssettm $0x1  }
0x93: {  	s5 =	sld [smem:$0x3FFB];
	_ =	sdelay $0x3  }
0x94: {  	_ =	strace s5  }
0x95: {  	s5 =	sld [smem:$0x3FFC];
	_ =	sdelay $0x3  }
0x96: {  	_ =	strace s5  }
0x97: {  	s5 =	sld [smem:$0x3FFD];
	_ =	sdelay $0x3  }
0x98: {  	_ =	strace s5  }
0x99: {  	_ =	strace $0x8FFFFFFF  }
0x9a: {  	s20 =	sld [smem:$0x3FDB];
	_ =	sdelay $0x1  }
0x9b: {  	s6 =	simm.s32 $_scs_section_size  }
0x9c: {  	s7 =	simm.s32 $_size__tile_overlayer_lowered;
	s8 =	simm.s32 $_tile_overlayer_lowered  }
0x9d: {  	s23 =	simm.s32 $0x1BFF;
	s22 =	sshll.u32 s8, $0x1;
	s5 =	sadd.s32 s6, s20  }
0x9e: {  	s9 =	simm.s32 $0x0;
	s21 =	sshll.u32 s7, $0x1;
	s7 =	sadd.s32 s22, s5  }
0x9f: {  	[timem:s9], [sflag:s23] =	dma.local [hbm:s7], s21  }
0xa0: {  	_ =	swait.ge [sflag:s23], s21  }
0xa1: {  	s6 =	ssub.s32 $0x0, s21;
	[sflag:s23] =	ssyncset.done $0x0  }
0xa2: {  	[sflag:s23] =	ssyncadd.s32 s6;
	_ =	sdelay $0x1  }
0xa3: {  	s24 =	simm.s32 $0x1B8B  }
0xa4: {  	_ =	swait.ge [sflag:s24], $0x1  }
0xa5: {  	[sflag:s24] =	ssyncset.done $0x0  }
0xa6: {  	s25 =	simm.s32 $0x1B8E;
	[sflag:s24] =	ssyncadd.s32 $0xFFFFFFFF  }
0xa7: {  	s26 =	simm.s32 $execute0_lowered;
	[smem:$0x3FD2] =	sst s25  }
0xa8: {  	s6 =	sshll.u32 s26, $0x1;
	_ =	strace $0x80000046;
	[dreg:$0x1] =	wrdreg $0xFFFFFFFF  }
0xa9: {  	s28 =	simm.s32 $_size_execute0_lowered;
	s5 =	sadd.s32 s5, s6;
	[dreg:$0x0] =	wrdreg $0x0  }
0xaa: {  	s6 =	sshll.u32 s28, $0x1;
	[dreg:$0x2] =	wrdreg s5  }
0xab: {  	[dreg:$0x3] =	wrdreg s6  }
0xac: {  	[dreg:$0x4] =	wrdreg $0xC0  }
0xad: {  	_ =	task [dreg:s9], $0x5FFFF  }
0xae: {  	[dreg:$0x1] =	wrdreg $0xFFFFFFFF  }
0xaf: {  	[dreg:$0x0] =	wrdreg $0x60  }
0xb0: {  	[dreg:$0x2] =	wrdreg s2  }
0xb1: {  	[dreg:$0x3] =	wrdreg s19  }
0xb2: {  	[dreg:$0x4] =	wrdreg s4  }
0xb3: {  	[dreg:$0x5] =	wrdreg $0x9  }
0xb4: {  	_ =	task.clear_ibuf [dreg:s9], $0x6FFFF;
	_ =	strace $0x90000046  }
0xb5: {  	s29 =	simm.s32 $0x9;
	_ =	strace $0x80000048  }
0xb6: {  	_ =	swait.ge [sflag:s29], $0x1  }
0xb7: {  	[sflag:s29] =	ssyncadd.s32 $0xFFFFFFFF  }
0xb8: {  	_ =	strace $0x90000048  }
0xb9: {  	_ =	sfence  }
0xba: {  	s30 =	sld [smem:$0x0];
	_ =	sdelay $0x2  }
0xbb: {  	s31 =	sshll.u32 s1, $0xD;
	s1 =	sshrl.u32 s1, $0x2  }
0xbc: {  	s3 =	sand.u32 $0x4000, s31;
	s1 =	sadd.s32 s1, s30  }
0xbd: {  	s0 =	sor.u32 s3, s0;
	s1 =	sshll.u32 s1, $0x11  }
0xbe: {  	s0 =	sor.u32 s1, s0  }
0xbf: {  	s0 =	sadd.s32 $0x8F2B, s0  }
0xc0: {  	[sflag:s0] =	ssyncadd.remote.s32 $0x1  }
0xc1: {  	_ =	sfence.sel $0xFFFF  }
0xc2: {  	[dreg:$0x0] =	wrdreg $0xFFFFFFFF;
	(pc) =	sbr.abs _section_cstart, $3  }
0xc3: {  	[dreg:$0x1] =	wrdreg $0xFFFFFFFF  }
0xc4: {  	_ =	task.clear_ibuf [dreg:s9], $0x2FFFF;
	_ =	strace $0x9FFFFFFF  }
0xc5: {  	(tm) =	ssettm $0x7FFFFFFF  }
tec
execute0_lowered:
.L_overlay_start_1:
0x0: {  	(tag) =	ssettag $0x1  }
0x1: {  	s1 =	rddreg [dreg:$0x0]  }
0x2: {  	s8 =	rddreg [dreg:$0x1];
	s0 =	srdreg.scid  }
0x3: {  	s2 =	stileid.u32;
	s4 =	rddreg [dreg:$0x2];
	s5 =	simm.s32 $0x0  }
0x4: {  	s16 =	simm.s32 $0x800;
	s17 =	simm.s32 $0x7A1400;
	s18 =	simm.s32 $0x4000  }
0x5: {  	s19 =	simm.s32 $0x8000;
	s20 =	simm.s32 $0xC000;
	s21 =	simm.s32 $0x1  }
0x6: {  	s22 =	simm.s32 $0x10000;
	s28 =	simm.s32 $0x4;
	s29 =	simm.s32 $0x6  }
0x7: {  	s30 =	simm.s32 $0x0;
	s0 =	sand.u32 $0x1, s0;
	s2 =	sshll.u32 s2, $0x1  }
0x8: {  	[smem:$0x7FF] =	sst s5;
	s11 =	sadd.s32 $0x7A1000, s4;
	s25 =	sadd.s32 $0x80, s8  }
0x9: {  	s26 =	sadd.s32 $0x100, s8;
	s2 =	sor.u32 s0, s2;
	s0 =	ssub.s32 $0x2, s0  }
0xa: {  	_ =	strace $0x80000047;
	[dreg:$0x9] =	wrdreg s25;
	s3 =	smul.u32 $0x7C00, s2  }
0xb: {  	s31 =	sadd.s32 $0x180, s8;
	[dreg:$0xa] =	wrdreg s26;
	s6 =	sshrl.u32 s0, $0x1  }
0xc: {  	[dreg:$0xb] =	wrdreg s31;
	s0 =	ssub.s32 s0, s6;
	s3 =	sadd.s32 s1, s3  }
0xd: {  	s25 =	simm.s32 $0x3;
	s0 =	smax.u32 s0, $0x1;
	[dreg:$0x4] =	wrdreg s3  }
0xe: {  	s26 =	simm.s32 $0x5;
	s23 =	sadd.s32 $0x100, s3;
	[dreg:$0x8] =	wrdreg s0  }
0xf: {  	v0 =	vlaneseq.u32;
	s7 =	smul.u32 $0x7C, s2;
	s24 =	sadd.s32 $0x200, s3;
	[dreg:$0x5] =	wrdreg s23  }
0x10: {  	v2 =	vand.u32 $0x7, v0;
	p0 =	sne.s32 s2, $0x1F;
	s3 =	sadd.s32 $0x300, s3;
	[dreg:$0x6] =	wrdreg s24  }
0x11: {  	v1 =	vmul.u32 $0x100, v0;
	v2 =	vmul.u32 $0x80, v2;
	[dreg:$0x7] =	wrdreg s3;
	s23 =	simm.s32 $0x2;
	s24 =	simm.s32 $0x14000  }
.LBB2_1:
0x12: {  	s0 =	rddreg [dreg:$0x4]  }
0x13: {  	[tilespmem:s5], [sflag:$0x1] =	stream.strided.gather [hbm4b:s0+s16], $0x4000, s17, s16, $0x38;
	[tilespmem:$0x18000] =	vst v63  }
0x14: {  	s13 =	rddreg [dreg:$0x5]  }
0x15: {  	[tilespmem:s18], [sflag:$0x2] =	stream.strided.gather [hbm4b:s13+s16], $0x4000, s17, s16, $0x38;
	[tilespmem:$0x18000] =	vst v63  }
0x16: {  	s14 =	rddreg [dreg:$0x6]  }
0x17: {  	[tilespmem:s19], [sflag:$0x3] =	stream.strided.gather [hbm4b:s14+s16], $0x4000, s17, s16, $0x38;
	[tilespmem:$0x18000] =	vst v63  }
0x18: {  	s15 =	rddreg [dreg:$0x7];
	s31 =	simm.s32 $0x0  }
0x19: {  	[tilespmem:s20], [sflag:$0x4] =	stream.strided.gather [hbm4b:s15+s16], $0x4000, s17, s16, $0x38;
	[tilespmem:$0x18000] =	vst v63  }
.LBB2_2:
0x1a: {  	s2 =	simm.s32 $0x0  }
0x1b: {  	s0 =	simm.s32 $0x0;
	s3 =	sand.u32 $0x30, s2;
	s2 =	sand.u32 $0xC, s2  }
0x1c: {  	s0 =	sand.u32 $0x7, s0;
	v3 =	vmov s3;
	s12 =	sor.u32 $0x3, s2  }
0x1d: {  	s8 =	sshll.u32 s0, $0x5;
	s13 =	sor.u32 $0x1, s2;
	s9 =	sor.u32 $0x2, s2;
	v8 =	vadd.s32 s2, v0;
	v3 =	vshll.u32 v3, $0x8;
	v6 =	vadd.s32 s12, v0  }
0x1e: {  	s8 =	sadd.s32 $0x0, s8;
	v7 =	vadd.s32 s13, v0;
	v9 =	vadd.s32 s9, v0;
	v8 =	vand.u32 $0xF, v8  }
0x1f: {  	v4 =	vmov s8;
	v3 =	vor.u32 v1, v3;
	v6 =	vand.u32 $0xF, v6  }
0x20: {  	v7 =	vand.u32 $0xF, v7;
	v9 =	vand.u32 $0xF, v9;
	v10 =	vshll.u32 v8, $0x1  }
0x21: {  	v5 =	vshll.u32 v4, $0x3;
	v3 =	vand.u32 $0x3800, v3;
	v4 =	vand.u32 $0x61, v4  }
0x22: {  	v11 =	vshll.u32 v7, $0x1;
	v12 =	vshll.u32 v9, $0x1;
	v5 =	vand.u32 $0x400, v5  }
0x23: {  	v10 =	vor.u32 v10, v4;
	v3 =	vor.u32 v5, v3;
	v5 =	vshll.u32 v6, $0x1  }
0x24: {  	v11 =	vor.u32 v4, v11;
	v3 =	vor.u32 v2, v3;
	v5 =	vor.u32 v4, v5  }
0x25: {  	_ =	swait.ge [sflag:s21], $0x4000;
	p1 =	seq.s32 s31, $0x0;
	s0 =	sshll.u32 s0, $0x4;
	v4 =	vor.u32 v4, v12;
	v5 =	vor.u32 v5, v3;
	v10 =	vor.u32 v10, v3  }
0x26: {  	s14 =	simm.s32 $0x0;
	s15 =	simm.s32 $0x0;
	[sflag:s21] =	ssyncset.done $0x0;
	v11 =	vor.u32 v11, v3;
	v14 =	vor.u32 v4, v3;
	v3 =	vor.u32 s0, v7  }
0x27: {  	[sflag:s21] =	ssyncadd.s32 $0xFFFFC000;
	s2 =	simm.s32 @!p1 $0x5;
	s3 =	sor.u32 s3, s14;
	v7 =	vor.u32 s0, v9;
	v4 =	vor.u32 s0, v6;
	v6 =	vor.u32 s0, v8  }
0x28: {  	s6 =	sand.u32 $0x7, s15;
	_ =	swait.ge @!p1 [sflag:s2], $0x4000;
	s0 =	simm.s32 $0x4;
	v8 =	vor.u32 s3, v0;
	v4 =	vshll.u32 v4, $0x7;
	v3 =	vshll.u32 v3, $0x7  }
0x29: {  	s10 =	sshll.u32 s6, $0x5;
	[sflag:s2] =	ssyncset.done @!p1 $0x0;
	s3 =	sand.u32 $0x30, s0;
	v9 =	vadd.s32 v8, v4;
	v4 =	vadd.s32 v8, v3;
	v3 =	vshll.u32 v7, $0x7  }
0x2a: {  	[sflag:s2] =	ssyncadd.s32 @!p1 $0xFFFFC000;
	s2 =	sadd.s32 $0x0, s10;
	v6 =	vshll.u32 v6, $0x7;
	s12 =	sand.u32 $0xC, s0;
	v7 =	vmov s3;
	v3 =	vadd.s32 v8, v3  }
0x2b: {  	s13 =	sor.u32 $0x3, s12;
	v12 =	vld.idx.msk [tilespmem:v5+s5+$0x0], $0xffff;
	v5 =	vadd.s32 v8, v6;
	v6 =	vshll.u32 v7, $0x8;
	v8 =	vmov s2  }
0x2c: {  	v13 =	vadd.s32 s13, v0;
	v6 =	vor.u32 v1, v6;
	v7 =	vshll.u32 v8, $0x3  }
0x2d: {  	v6 =	vand.u32 $0x3800, v6;
	v15 =	vand.u32 $0x400, v7;
	v7 =	vand.u32 $0xF, v13  }
0x2e: {  	v8 =	vand.u32 $0x61, v8;
	v6 =	vor.u32 v15, v6;
	v13 =	vshll.u32 v7, $0x1  }
0x2f: {  	s14 =	sor.u32 $0x1, s12;
	v18 =	vld.idx.msk [tilespmem:v11+s5+$0x0], $0xffff;
	v11 =	vadd.s32 s12, v0;
	v17 =	vor.u32 v2, v6;
	v6 =	vor.u32 v8, v13  }
0x30: {  	s10 =	sor.u32 $0x2, s12;
	v11 =	vand.u32 $0xF, v11;
	v15 =	vld.idx.msk [tilespmem:v10+s5+$0x0], $0xffff;
	v10 =	vadd.s32 s14, v0;
	v19 =	vor.u32 v6, v17  }
0x31: {  	v13 =	vand.u32 $0xF, v10;
	v16 =	vmul.f32 $8.000000000e+00, v12;
	v6 =	vadd.s32 s10, v0  }
0x32: {  	v10 =	vshll.u32 v13, $0x1;
	v12 =	vand.u32 $0xF, v6;
	v6 =	vshll.u32 v11, $0x1  }
0x33: {  	s15 =	sshll.u32 s31, $0x2;
	v10 =	vor.u32 v8, v10;
	v20 =	vshll.u32 v12, $0x1;
	v21 =	vor.u32 v6, v8;
	v6 =	vld.idx.msk [tilespmem:v14+s5+$0x0], $0xffff  }
0x34: {  	s2 =	sadd.s32 s7, s15;
	v10 =	vor.u32 v10, v17;
	v8 =	vor.u32 v8, v20;
	v14 =	vor.u32 v21, v17  }
0x35: {  	s9 =	sshll.u32 s6, $0x4;
	s8 =	smin.u32 s2, $0xF41;
	s10 =	simm.s32 $0x0;
	[tilespmem:v9+s22+$0x0] =	vst.idx.msk $0xffff, v16;
	v16 =	vmul.f32 $8.000000000e+00, v15;
	v15 =	vmul.f32 $8.000000000e+00, v18;
	v9 =	vor.u32 v8, v17;
	v8 =	vld.idx.msk [tilespmem:v19+s5+$0x0], $0xffff  }
.LBB2_3:
0x36: {  	s0 =	sadd.s32 $0x4, s0;
	s3 =	sor.u32 s3, s10;
	v13 =	vor.u32 s9, v13;
	v12 =	vor.u32 s9, v12;
	v7 =	vor.u32 s9, v7  }
0x37: {  	v11 =	vor.u32 s9, v11;
	s10 =	sshrl.u32 s0, $0x6;
	p2 =	slt.u32 s0, $0x3FC;
	v17 =	vor.u32 s3, v0;
	v7 =	vshll.u32 v7, $0x7;
	[tilespmem:v5+s22+$0x0] =	vst.idx.msk $0xffff, v16  }
0x38: {  	v6 =	vmul.f32 $8.000000000e+00, v6;
	v5 =	vshll.u32 v13, $0x7;
	s9 =	sand.u32 $0x7, s10;
	v13 =	vadd.s32 v17, v7;
	[tilespmem:v4+s22+$0x0] =	vst.idx.msk $0xffff, v15  }
0x39: {  	s3 =	sand.u32 $0x30, s0;
	s10 =	sshrl.u32 s0, $0x9;
	v7 =	vshll.u32 v11, $0x7;
	v4 =	vadd.s32 v17, v5;
	v11 =	vshll.u32 v12, $0x7;
	s12 =	sshll.u32 s9, $0x5;
	v15 =	vld.idx.msk [tilespmem:v14+s5+$0x0], $0xffff  }
0x3a: {  	s13 =	sand.u32 $0xC, s0;
	v12 =	vmov s3;
	v5 =	vadd.s32 v17, v7;
	s12 =	sadd.s32 s10, s12;
	v18 =	vld.idx.msk [tilespmem:v10+s5+$0x0], $0xffff;
	[tilespmem:v3+s22+$0x0] =	vst.idx.msk $0xffff, v6;
	v3 =	vadd.s32 v17, v11  }
0x3b: {  	s14 =	sor.u32 $0x2, s13;
	s15 =	sor.u32 $0x3, s13;
	v7 =	vshll.u32 v12, $0x8;
	v8 =	vmul.f32 $8.000000000e+00, v8;
	v10 =	vmov s12;
	s12 =	sor.u32 $0x1, s13;
	v6 =	vld.idx.msk [tilespmem:v9+s5+$0x0], $0xffff  }
0x3c: {  	v7 =	vor.u32 v1, v7;
	v11 =	vadd.s32 s15, v0;
	v9 =	vshll.u32 v10, $0x3  }
0x3d: {  	v12 =	vand.u32 $0x3800, v7;
	v7 =	vand.u32 $0xF, v11;
	v9 =	vand.u32 $0x400, v9;
	[tilespmem:v13+s22+$0x0] =	vst.idx.msk $0xffff, v8  }
0x3e: {  	v8 =	vand.u32 $0x61, v10;
	v10 =	vshll.u32 v7, $0x1;
	v9 =	vor.u32 v9, v12  }
0x3f: {  	v12 =	vadd.s32 s12, v0;
	v10 =	vor.u32 v8, v10;
	v9 =	vor.u32 v2, v9  }
0x40: {  	v14 =	vadd.s32 s14, v0;
	v11 =	vadd.s32 s13, v0;
	v16 =	vor.u32 v10, v9  }
.Ltmp0:
0x41: {  	v11 =	vand.u32 $0xF, v11;
	v13 =	vand.u32 $0xF, v12;
	v12 =	vand.u32 $0xF, v14;
	(pc) =	sbr.rel @p2 .LBB2_3-.Ltmp0, $4  }
0x42: {  	v10 =	vshll.u32 v11, $0x1;
	v14 =	vshll.u32 v13, $0x1;
	v17 =	vshll.u32 v12, $0x1  }
0x43: {  	v10 =	vor.u32 v10, v8;
	v19 =	vor.u32 v8, v14;
	v8 =	vor.u32 v8, v17  }
0x44: {  	v14 =	vor.u32 v10, v9;
	v10 =	vor.u32 v19, v9;
	v9 =	vor.u32 v8, v9  }
0x45: {  	s9 =	sshll.u32 s9, $0x4;
	s10 =	sshll.u32 s10, $0x6;
	v8 =	vld.idx.msk [tilespmem:v16+s5+$0x0], $0xffff;
	v16 =	vmul.f32 $8.000000000e+00, v15;
	v15 =	vmul.f32 $8.000000000e+00, v18  }
0x46: {  	_ =	sdelay $0x2  }
0x47: {  	s0 =	sor.u32 s3, s10;
	v7 =	vor.u32 s9, v7  }
0x48: {  	v11 =	vor.u32 s9, v11;
	v14 =	vld.idx.msk [tilespmem:v14+s5+$0x0], $0xffff;
	v17 =	vor.u32 s0, v0;
	v7 =	vshll.u32 v7, $0x7  }
0x49: {  	v13 =	vor.u32 s9, v13;
	v10 =	vld.idx.msk [tilespmem:v10+s5+$0x0], $0xffff;
	v11 =	vshll.u32 v11, $0x7;
	v7 =	vadd.s32 v17, v7  }
0x4a: {  	v12 =	vor.u32 s9, v12;
	v9 =	vld.idx.msk [tilespmem:v9+s5+$0x0], $0xffff;
	v13 =	vshll.u32 v13, $0x7;
	v11 =	vadd.s32 v17, v11  }
0x4b: {  	[tilespmem:v5+s22+$0x0] =	vst.idx.msk $0xffff, v16;
	v5 =	vmul.f32 $8.000000000e+00, v6;
	v12 =	vshll.u32 v12, $0x7;
	v6 =	vadd.s32 v17, v13  }
0x4c: {  	[tilespmem:v4+s22+$0x0] =	vst.idx.msk $0xffff, v15;
	v4 =	vadd.s32 v17, v12;
	v8 =	vmul.f32 $8.000000000e+00, v8  }
0x4d: {  	[tilespmem:v3+s22+$0x0] =	vst.idx.msk $0xffff, v5;
	v3 =	vmul.f32 $8.000000000e+00, v14  }
0x4e: {  	s15 =	simm.s32 $0x0;
	v5 =	vmul.f32 $8.000000000e+00, v10;
	[tilespmem:v7+s22+$0x0] =	vst.idx.msk $0xffff, v8  }
0x4f: {  	s13 =	sshll.u32 s8, $0xB;
	s3 =	sand.u32 $0xC, s15;
	[tilespmem:v11+s22+$0x0] =	vst.idx.msk $0xffff, v3;
	v3 =	vmul.f32 $8.000000000e+00, v9  }
0x50: {  	s14 =	simm.s32 $0x0;
	s0 =	sadd.s32 s4, s13;
	s13 =	sor.u32 $0x3, s3;
	[tilespmem:v6+s22+$0x0] =	vst.idx.msk $0xffff, v5  }
0x51: {  	s6 =	sand.u32 $0x7, s14;
	s12 =	sor.u32 $0x1, s3;
	v6 =	vadd.s32 s13, v0;
	s13 =	sor.u32 $0x2, s3;
	[tilespmem:v4+s22+$0x0] =	vst.idx.msk $0xffff, v3  }
0x52: {  	v7 =	vadd.s32 s12, v0;
	v8 =	vadd.s32 s3, v0;
	v6 =	vand.u32 $0xF, v6;
	[hbm4b:s0+s5] =	stream.linear.scatter [tilespmem:s22], [sflag:$0x5], $0x4000, $0x38;
	[tilespmem:$0x18000] =	vst v63  }
0x53: {  	s31 =	sadd.s32 $0x1, s31;
	s9 =	sand.u32 $0x30, s15;
	v9 =	vadd.s32 s13, v0;
	v8 =	vand.u32 $0xF, v8;
	v7 =	vand.u32 $0xF, v7;
	s0 =	sshll.u32 s6, $0x5  }
0x54: {  	s14 =	sshll.u32 s31, $0x2;
	v3 =	vmov s9;
	v9 =	vand.u32 $0xF, v9;
	v10 =	vshll.u32 v8, $0x1;
	s0 =	sadd.s32 $0x0, s0  }
0x55: {  	v11 =	vshll.u32 v7, $0x1;
	v3 =	vshll.u32 v3, $0x8;
	v4 =	vmov s0;
	s0 =	sadd.s32 s7, s14  }
0x56: {  	v12 =	vshll.u32 v9, $0x1;
	v3 =	vor.u32 v1, v3;
	v5 =	vshll.u32 v4, $0x3;
	s10 =	smin.u32 s0, $0xF41  }
0x57: {  	v3 =	vand.u32 $0x3800, v3;
	v4 =	vand.u32 $0x61, v4;
	v5 =	vand.u32 $0x400, v5;
	s10 =	sshll.u32 s10, $0x8  }
0x58: {  	v10 =	vor.u32 v10, v4;
	v3 =	vor.u32 v5, v3;
	v5 =	vshll.u32 v6, $0x1;
	s15 =	sadd.s32 s1, s10  }
0x59: {  	v11 =	vor.u32 v4, v11;
	v3 =	vor.u32 v2, v3;
	v5 =	vor.u32 v4, v5;
	[tilespmem:s5], [sflag:$0x1] =	stream.strided.gather [hbm4b:s15+s16], $0x4000, s17, s16, $0x38;
	[tilespmem:$0x18000] =	vst v63  }
0x5a: {  	s6 =	sshll.u32 s6, $0x4;
	v4 =	vor.u32 v4, v12;
	v5 =	vor.u32 v5, v3;
	_ =	swait.ge [sflag:s23], $0x4000;
	v10 =	vor.u32 v10, v3  }
0x5b: {  	s8 =	simm.s32 @!p1 $0x6;
	s12 =	simm.s32 $0x0;
	v11 =	vor.u32 v11, v3;
	v14 =	vor.u32 v4, v3;
	v3 =	vor.u32 s6, v7;
	[sflag:s23] =	ssyncset.done $0x0  }
0x5c: {  	s13 =	simm.s32 $0x0;
	s9 =	sor.u32 s9, s12;
	v7 =	vor.u32 s6, v9;
	v4 =	vor.u32 s6, v6;
	v6 =	vor.u32 s6, v8;
	[sflag:s23] =	ssyncadd.s32 $0xFFFFC000  }
0x5d: {  	s3 =	simm.s32 $0x4;
	s10 =	sand.u32 $0x7, s13;
	v8 =	vor.u32 s9, v0;
	v4 =	vshll.u32 v4, $0x7;
	v3 =	vshll.u32 v3, $0x7;
	_ =	swait.ge @!p1 [sflag:s8], $0x4000  }
0x5e: {  	s14 =	sshll.u32 s10, $0x5;
	s9 =	sand.u32 $0x30, s3;
	v9 =	vadd.s32 v8, v4;
	v4 =	vadd.s32 v8, v3;
	v3 =	vshll.u32 v7, $0x7;
	[sflag:s8] =	ssyncset.done @!p1 $0x0  }
0x5f: {  	s15 =	sand.u32 $0xC, s3;
	v6 =	vshll.u32 v6, $0x7;
	v7 =	vmov s9;
	v3 =	vadd.s32 v8, v3;
	[sflag:s8] =	ssyncadd.s32 @!p1 $0xFFFFC000;
	s8 =	sadd.s32 $0x0, s14  }
0x60: {  	s6 =	sor.u32 $0x3, s15;
	v12 =	vld.idx.msk [tilespmem:v5+s18+$0x0], $0xffff;
	v5 =	vadd.s32 v8, v6;
	v6 =	vshll.u32 v7, $0x8;
	v8 =	vmov s8  }
0x61: {  	v13 =	vadd.s32 s6, v0;
	v6 =	vor.u32 v1, v6;
	v7 =	vshll.u32 v8, $0x3  }
0x62: {  	v6 =	vand.u32 $0x3800, v6;
	v15 =	vand.u32 $0x400, v7;
	v7 =	vand.u32 $0xF, v13  }
0x63: {  	v8 =	vand.u32 $0x61, v8;
	v6 =	vor.u32 v15, v6;
	v13 =	vshll.u32 v7, $0x1  }
0x64: {  	s13 =	sor.u32 $0x1, s15;
	v18 =	vld.idx.msk [tilespmem:v11+s18+$0x0], $0xffff;
	v11 =	vadd.s32 s15, v0;
	v17 =	vor.u32 v2, v6;
	v6 =	vor.u32 v8, v13  }
0x65: {  	s14 =	sor.u32 $0x2, s15;
	v11 =	vand.u32 $0xF, v11;
	v15 =	vld.idx.msk [tilespmem:v10+s18+$0x0], $0xffff;
	v10 =	vadd.s32 s13, v0;
	v19 =	vor.u32 v6, v17  }
0x66: {  	v13 =	vand.u32 $0xF, v10;
	v16 =	vmul.f32 $8.000000000e+00, v12;
	v6 =	vadd.s32 s14, v0  }
0x67: {  	v10 =	vshll.u32 v13, $0x1;
	v12 =	vand.u32 $0xF, v6;
	v6 =	vshll.u32 v11, $0x1  }
0x68: {  	v10 =	vor.u32 v8, v10;
	v20 =	vshll.u32 v12, $0x1;
	v21 =	vor.u32 v6, v8;
	v6 =	vld.idx.msk [tilespmem:v14+s18+$0x0], $0xffff  }
0x69: {  	s15 =	sor.u32 $0x1, s2;
	v10 =	vor.u32 v10, v17;
	v8 =	vor.u32 v8, v20;
	v14 =	vor.u32 v21, v17  }
0x6a: {  	s12 =	simm.s32 $0x0;
	s10 =	sshll.u32 s10, $0x4;
	s8 =	smin.u32 s15, $0xF41;
	[tilespmem:v9+s24+$0x0] =	vst.idx.msk $0xffff, v16;
	v16 =	vmul.f32 $8.000000000e+00, v15;
	v15 =	vmul.f32 $8.000000000e+00, v18;
	v9 =	vor.u32 v8, v17;
	v8 =	vld.idx.msk [tilespmem:v19+s18+$0x0], $0xffff  }
.LBB2_5:
0x6b: {  	s3 =	sadd.s32 $0x4, s3;
	s9 =	sor.u32 s9, s12;
	v13 =	vor.u32 s10, v13;
	v12 =	vor.u32 s10, v12;
	v7 =	vor.u32 s10, v7  }
0x6c: {  	v11 =	vor.u32 s10, v11;
	s12 =	sshrl.u32 s3, $0x6;
	p1 =	slt.u32 s3, $0x3FC;
	v17 =	vor.u32 s9, v0;
	v7 =	vshll.u32 v7, $0x7;
	[tilespmem:v5+s24+$0x0] =	vst.idx.msk $0xffff, v16  }
0x6d: {  	v6 =	vmul.f32 $8.000000000e+00, v6;
	v5 =	vshll.u32 v13, $0x7;
	s10 =	sand.u32 $0x7, s12;
	v13 =	vadd.s32 v17, v7;
	[tilespmem:v4+s24+$0x0] =	vst.idx.msk $0xffff, v15  }
0x6e: {  	s9 =	sand.u32 $0x30, s3;
	s12 =	sshrl.u32 s3, $0x9;
	v7 =	vshll.u32 v11, $0x7;
	v4 =	vadd.s32 v17, v5;
	v11 =	vshll.u32 v12, $0x7;
	s13 =	sshll.u32 s10, $0x5;
	v15 =	vld.idx.msk [tilespmem:v14+s18+$0x0], $0xffff  }
0x6f: {  	s14 =	sand.u32 $0xC, s3;
	v12 =	vmov s9;
	v5 =	vadd.s32 v17, v7;
	s13 =	sadd.s32 s12, s13;
	v18 =	vld.idx.msk [tilespmem:v10+s18+$0x0], $0xffff;
	[tilespmem:v3+s24+$0x0] =	vst.idx.msk $0xffff, v6;
	v3 =	vadd.s32 v17, v11  }
0x70: {  	s15 =	sor.u32 $0x2, s14;
	s6 =	sor.u32 $0x3, s14;
	v7 =	vshll.u32 v12, $0x8;
	v8 =	vmul.f32 $8.000000000e+00, v8;
	v10 =	vmov s13;
	s13 =	sor.u32 $0x1, s14;
	v6 =	vld.idx.msk [tilespmem:v9+s18+$0x0], $0xffff  }
0x71: {  	v7 =	vor.u32 v1, v7;
	v11 =	vadd.s32 s6, v0;
	v9 =	vshll.u32 v10, $0x3  }
0x72: {  	v12 =	vand.u32 $0x3800, v7;
	v7 =	vand.u32 $0xF, v11;
	v9 =	vand.u32 $0x400, v9;
	[tilespmem:v13+s24+$0x0] =	vst.idx.msk $0xffff, v8  }
0x73: {  	v8 =	vand.u32 $0x61, v10;
	v10 =	vshll.u32 v7, $0x1;
	v9 =	vor.u32 v9, v12  }
0x74: {  	v12 =	vadd.s32 s13, v0;
	v10 =	vor.u32 v8, v10;
	v9 =	vor.u32 v2, v9  }
0x75: {  	v14 =	vadd.s32 s15, v0;
	v11 =	vadd.s32 s14, v0;
	v16 =	vor.u32 v10, v9  }
.Ltmp1:
0x76: {  	v11 =	vand.u32 $0xF, v11;
	v13 =	vand.u32 $0xF, v12;
	v12 =	vand.u32 $0xF, v14;
	(pc) =	sbr.rel @p1 .LBB2_5-.Ltmp1, $4  }
0x77: {  	v10 =	vshll.u32 v11, $0x1;
	v14 =	vshll.u32 v13, $0x1;
	v17 =	vshll.u32 v12, $0x1  }
0x78: {  	v10 =	vor.u32 v10, v8;
	v19 =	vor.u32 v8, v14;
	v8 =	vor.u32 v8, v17  }
0x79: {  	v14 =	vor.u32 v10, v9;
	v10 =	vor.u32 v19, v9;
	v9 =	vor.u32 v8, v9  }
0x7a: {  	s10 =	sshll.u32 s10, $0x4;
	s12 =	sshll.u32 s12, $0x6;
	v8 =	vld.idx.msk [tilespmem:v16+s18+$0x0], $0xffff;
	v16 =	vmul.f32 $8.000000000e+00, v15;
	v15 =	vmul.f32 $8.000000000e+00, v18  }
0x7b: {  	_ =	sdelay $0x2  }
0x7c: {  	s3 =	sor.u32 s9, s12;
	v7 =	vor.u32 s10, v7  }
0x7d: {  	v11 =	vor.u32 s10, v11;
	v14 =	vld.idx.msk [tilespmem:v14+s18+$0x0], $0xffff;
	v17 =	vor.u32 s3, v0;
	v7 =	vshll.u32 v7, $0x7  }
0x7e: {  	v13 =	vor.u32 s10, v13;
	v10 =	vld.idx.msk [tilespmem:v10+s18+$0x0], $0xffff;
	v11 =	vshll.u32 v11, $0x7;
	v7 =	vadd.s32 v17, v7  }
0x7f: {  	v12 =	vor.u32 s10, v12;
	v9 =	vld.idx.msk [tilespmem:v9+s18+$0x0], $0xffff;
	v13 =	vshll.u32 v13, $0x7;
	v11 =	vadd.s32 v17, v11  }
0x80: {  	[tilespmem:v5+s24+$0x0] =	vst.idx.msk $0xffff, v16;
	v5 =	vmul.f32 $8.000000000e+00, v6;
	v12 =	vshll.u32 v12, $0x7;
	v6 =	vadd.s32 v17, v13  }
0x81: {  	s13 =	simm.s32 $0x0;
	[tilespmem:v4+s24+$0x0] =	vst.idx.msk $0xffff, v15;
	v4 =	vadd.s32 v17, v12;
	v8 =	vmul.f32 $8.000000000e+00, v8  }
0x82: {  	s6 =	simm.s32 $0x0;
	s3 =	sand.u32 $0x7, s13;
	[tilespmem:v3+s24+$0x0] =	vst.idx.msk $0xffff, v5;
	v3 =	vmul.f32 $8.000000000e+00, v14  }
0x83: {  	s9 =	sand.u32 $0x30, s6;
	s6 =	sand.u32 $0xC, s6;
	s14 =	sshll.u32 s3, $0x5;
	v5 =	vmul.f32 $8.000000000e+00, v10;
	[tilespmem:v7+s24+$0x0] =	vst.idx.msk $0xffff, v8  }
0x84: {  	s10 =	sadd.s32 $0x0, s14;
	s14 =	sor.u32 $0x2, s6;
	[tilespmem:v11+s24+$0x0] =	vst.idx.msk $0xffff, v3;
	v3 =	vmul.f32 $8.000000000e+00, v9;
	v7 =	vmov s9  }
0x85: {  	s8 =	sshll.u32 s8, $0xB;
	s13 =	sor.u32 $0x1, s6;
	[tilespmem:v6+s24+$0x0] =	vst.idx.msk $0xffff, v5;
	v6 =	vmov s10;
	v8 =	vadd.s32 s6, v0;
	v9 =	vadd.s32 s14, v0  }
0x86: {  	s12 =	sor.u32 $0x1, s0;
	s8 =	sadd.s32 s4, s8;
	s15 =	sor.u32 $0x3, s6;
	v5 =	vshll.u32 v7, $0x8;
	v7 =	vadd.s32 s13, v0;
	v8 =	vand.u32 $0xF, v8;
	[tilespmem:v4+s24+$0x0] =	vst.idx.msk $0xffff, v3  }
0x87: {  	v9 =	vand.u32 $0xF, v9;
	v3 =	vor.u32 v1, v5;
	v4 =	vshll.u32 v6, $0x3;
	[hbm4b:s8+s5] =	stream.linear.scatter [tilespmem:s24], [sflag:$0x6], $0x4000, $0x38;
	[tilespmem:$0x18000] =	vst v63  }
0x88: {  	v5 =	vadd.s32 s15, v0;
	v7 =	vand.u32 $0xF, v7;
	v10 =	vshll.u32 v8, $0x1;
	s8 =	smin.u32 s12, $0xF41  }
0x89: {  	v12 =	vshll.u32 v9, $0x1;
	v3 =	vand.u32 $0x3800, v3;
	v4 =	vand.u32 $0x400, v4;
	s8 =	sshll.u32 s8, $0x8  }
0x8a: {  	v5 =	vand.u32 $0xF, v5;
	v11 =	vshll.u32 v7, $0x1;
	v3 =	vor.u32 v4, v3;
	s15 =	sadd.s32 s1, s8  }
0x8b: {  	v4 =	vand.u32 $0x61, v6;
	v6 =	vshll.u32 v5, $0x1;
	v3 =	vor.u32 v2, v3;
	[tilespmem:s18], [sflag:$0x2] =	stream.strided.gather [hbm4b:s15+s16], $0x4000, s17, s16, $0x38;
	[tilespmem:$0x18000] =	vst v63  }
0x8c: {  	v6 =	vor.u32 v4, v6;
	v10 =	vor.u32 v10, v4;
	v11 =	vor.u32 v4, v11;
	_ =	swait.ge [sflag:s25], $0x4000  }
0x8d: {  	s3 =	sshll.u32 s3, $0x4;
	v4 =	vor.u32 v4, v12;
	v6 =	vor.u32 v6, v3;
	v10 =	vor.u32 v10, v3;
	[sflag:s25] =	ssyncset.done $0x0  }
0x8e: {  	s8 =	simm.s32 $0x0;
	v11 =	vor.u32 v11, v3;
	v14 =	vor.u32 v4, v3;
	v3 =	vor.u32 s3, v7;
	[sflag:s25] =	ssyncadd.s32 $0xFFFFC000  }
0x8f: {  	s6 =	sor.u32 s9, s8;
	v7 =	vor.u32 s3, v9;
	v4 =	vor.u32 s3, v5;
	s9 =	simm.s32 $0x0;
	v5 =	vor.u32 s3, v8;
	_ =	swait.ge [sflag:s26], $0x4000  }
0x90: {  	s3 =	simm.s32 $0x4;
	v8 =	vor.u32 s6, v0;
	v4 =	vshll.u32 v4, $0x7;
	s6 =	sand.u32 $0x7, s9;
	v3 =	vshll.u32 v3, $0x7;
	[sflag:s26] =	ssyncset.done $0x0  }
0x91: {  	s8 =	sand.u32 $0x30, s3;
	v5 =	vshll.u32 v5, $0x7;
	v9 =	vadd.s32 v8, v4;
	s10 =	sshll.u32 s6, $0x5;
	v4 =	vadd.s32 v8, v3;
	[sflag:s26] =	ssyncadd.s32 $0xFFFFC000  }
0x92: {  	s12 =	sand.u32 $0xC, s3;
	v3 =	vshll.u32 v7, $0x7;
	v7 =	vmov s8;
	v5 =	vadd.s32 v8, v5;
	s9 =	sadd.s32 $0x0, s10;
	v6 =	vld.idx.msk [tilespmem:v6+s19+$0x0], $0xffff  }
0x93: {  	s13 =	sor.u32 $0x3, s12;
	v3 =	vadd.s32 v8, v3;
	v7 =	vshll.u32 v7, $0x8;
	v8 =	vmov s9  }
0x94: {  	v13 =	vadd.s32 s13, v0;
	v7 =	vor.u32 v1, v7;
	v12 =	vshll.u32 v8, $0x3  }
0x95: {  	v15 =	vand.u32 $0x3800, v7;
	v7 =	vand.u32 $0xF, v13;
	v12 =	vand.u32 $0x400, v12  }
0x96: {  	v8 =	vand.u32 $0x61, v8;
	v13 =	vshll.u32 v7, $0x1;
	v12 =	vor.u32 v12, v15  }
0x97: {  	s14 =	sor.u32 $0x1, s12;
	v15 =	vld.idx.msk [tilespmem:v10+s19+$0x0], $0xffff;
	v17 =	vor.u32 v2, v12;
	v16 =	vmul.f32 $8.000000000e+00, v6;
	v6 =	vor.u32 v8, v13  }
0x98: {  	s15 =	sor.u32 $0x2, s12;
	v18 =	vld.idx.msk [tilespmem:v11+s19+$0x0], $0xffff;
	v10 =	vadd.s32 s14, v0;
	v11 =	vadd.s32 s12, v0;
	v19 =	vor.u32 v6, v17  }
0x99: {  	v11 =	vand.u32 $0xF, v11;
	v13 =	vand.u32 $0xF, v10;
	v6 =	vadd.s32 s15, v0  }
0x9a: {  	v10 =	vshll.u32 v13, $0x1;
	v12 =	vand.u32 $0xF, v6;
	v6 =	vshll.u32 v11, $0x1  }
0x9b: {  	v10 =	vor.u32 v8, v10;
	v20 =	vshll.u32 v12, $0x1;
	v21 =	vor.u32 v6, v8;
	v6 =	vld.idx.msk [tilespmem:v14+s19+$0x0], $0xffff  }
0x9c: {  	[tilespmem:v9+s22+$0x0] =	vst.idx.msk $0xffff, v16;
	v16 =	vmul.f32 $8.000000000e+00, v15;
	v8 =	vor.u32 v8, v20;
	v14 =	vor.u32 v21, v17  }
0x9d: {  	s10 =	simm.s32 $0x0;
	s9 =	sshll.u32 s6, $0x4;
	v15 =	vmul.f32 $8.000000000e+00, v18;
	v10 =	vor.u32 v10, v17;
	v9 =	vor.u32 v8, v17;
	v8 =	vld.idx.msk [tilespmem:v19+s19+$0x0], $0xffff  }
.LBB2_7:
0x9e: {  	s3 =	sadd.s32 $0x4, s3;
	s6 =	sor.u32 s8, s10;
	v13 =	vor.u32 s9, v13;
	v12 =	vor.u32 s9, v12;
	v7 =	vor.u32 s9, v7  }
0x9f: {  	v11 =	vor.u32 s9, v11;
	s8 =	sshrl.u32 s3, $0x6;
	p1 =	slt.u32 s3, $0x3FC;
	v17 =	vor.u32 s6, v0;
	v7 =	vshll.u32 v7, $0x7;
	[tilespmem:v5+s22+$0x0] =	vst.idx.msk $0xffff, v16  }
0xa0: {  	v6 =	vmul.f32 $8.000000000e+00, v6;
	v5 =	vshll.u32 v13, $0x7;
	s9 =	sand.u32 $0x7, s8;
	v13 =	vadd.s32 v17, v7;
	[tilespmem:v4+s22+$0x0] =	vst.idx.msk $0xffff, v15  }
0xa1: {  	s6 =	sshrl.u32 s3, $0x9;
	s8 =	sand.u32 $0x30, s3;
	v7 =	vshll.u32 v11, $0x7;
	v4 =	vadd.s32 v17, v5;
	v11 =	vshll.u32 v12, $0x7;
	s10 =	sshll.u32 s9, $0x5;
	v15 =	vld.idx.msk [tilespmem:v14+s19+$0x0], $0xffff  }
0xa2: {  	s12 =	sand.u32 $0xC, s3;
	v12 =	vmov s8;
	v5 =	vadd.s32 v17, v7;
	s10 =	sadd.s32 s6, s10;
	v18 =	vld.idx.msk [tilespmem:v10+s19+$0x0], $0xffff;
	[tilespmem:v3+s22+$0x0] =	vst.idx.msk $0xffff, v6;
	v3 =	vadd.s32 v17, v11  }
0xa3: {  	s13 =	sor.u32 $0x2, s12;
	s14 =	sor.u32 $0x3, s12;
	v7 =	vshll.u32 v12, $0x8;
	v8 =	vmul.f32 $8.000000000e+00, v8;
	v10 =	vmov s10;
	s10 =	sor.u32 $0x1, s12;
	v6 =	vld.idx.msk [tilespmem:v9+s19+$0x0], $0xffff  }
0xa4: {  	v11 =	vadd.s32 s14, v0;
	v7 =	vor.u32 v1, v7;
	v9 =	vshll.u32 v10, $0x3  }
0xa5: {  	v12 =	vand.u32 $0x3800, v7;
	v7 =	vand.u32 $0xF, v11;
	v9 =	vand.u32 $0x400, v9;
	[tilespmem:v13+s22+$0x0] =	vst.idx.msk $0xffff, v8  }
0xa6: {  	v8 =	vand.u32 $0x61, v10;
	v10 =	vshll.u32 v7, $0x1;
	v9 =	vor.u32 v9, v12  }
0xa7: {  	v12 =	vadd.s32 s10, v0;
	v10 =	vor.u32 v8, v10;
	v9 =	vor.u32 v2, v9  }
0xa8: {  	v14 =	vadd.s32 s13, v0;
	v11 =	vadd.s32 s12, v0;
	v16 =	vor.u32 v10, v9  }
.Ltmp2:
0xa9: {  	v11 =	vand.u32 $0xF, v11;
	v13 =	vand.u32 $0xF, v12;
	v12 =	vand.u32 $0xF, v14;
	(pc) =	sbr.rel @p1 .LBB2_7-.Ltmp2, $4  }
0xaa: {  	v10 =	vshll.u32 v11, $0x1;
	v14 =	vshll.u32 v13, $0x1;
	v17 =	vshll.u32 v12, $0x1  }
0xab: {  	v10 =	vor.u32 v10, v8;
	v19 =	vor.u32 v8, v14;
	v8 =	vor.u32 v8, v17  }
0xac: {  	v14 =	vor.u32 v10, v9;
	v10 =	vor.u32 v19, v9;
	v9 =	vor.u32 v8, v9  }
0xad: {  	s9 =	sshll.u32 s9, $0x4;
	s10 =	sshll.u32 s6, $0x6;
	v8 =	vld.idx.msk [tilespmem:v16+s19+$0x0], $0xffff;
	v16 =	vmul.f32 $8.000000000e+00, v15;
	v15 =	vmul.f32 $8.000000000e+00, v18  }
0xae: {  	_ =	sdelay $0x2  }
0xaf: {  	s3 =	sor.u32 s8, s10;
	v7 =	vor.u32 s9, v7  }
0xb0: {  	v11 =	vor.u32 s9, v11;
	v14 =	vld.idx.msk [tilespmem:v14+s19+$0x0], $0xffff;
	v17 =	vor.u32 s3, v0;
	v7 =	vshll.u32 v7, $0x7  }
0xb1: {  	v13 =	vor.u32 s9, v13;
	v10 =	vld.idx.msk [tilespmem:v10+s19+$0x0], $0xffff;
	v11 =	vshll.u32 v11, $0x7;
	v7 =	vadd.s32 v17, v7  }
0xb2: {  	v12 =	vor.u32 s9, v12;
	v9 =	vld.idx.msk [tilespmem:v9+s19+$0x0], $0xffff;
	v13 =	vshll.u32 v13, $0x7;
	v11 =	vadd.s32 v17, v11  }
0xb3: {  	[tilespmem:v5+s22+$0x0] =	vst.idx.msk $0xffff, v16;
	v5 =	vmul.f32 $8.000000000e+00, v6;
	v12 =	vshll.u32 v12, $0x7;
	v6 =	vadd.s32 v17, v13  }
0xb4: {  	s13 =	simm.s32 $0x0;
	[tilespmem:v4+s22+$0x0] =	vst.idx.msk $0xffff, v15;
	v4 =	vadd.s32 v17, v12;
	v8 =	vmul.f32 $8.000000000e+00, v8  }
0xb5: {  	s6 =	simm.s32 $0x0;
	s3 =	sand.u32 $0x7, s13;
	[tilespmem:v3+s22+$0x0] =	vst.idx.msk $0xffff, v5;
	v3 =	vmul.f32 $8.000000000e+00, v14  }
0xb6: {  	s14 =	sor.u32 $0x2, s2;
	s9 =	sand.u32 $0x30, s6;
	s15 =	sshll.u32 s3, $0x5;
	v5 =	vmul.f32 $8.000000000e+00, v10;
	[tilespmem:v7+s22+$0x0] =	vst.idx.msk $0xffff, v8  }
0xb7: {  	s8 =	smin.u32 s14, $0xF41;
	s6 =	sand.u32 $0xC, s6;
	s10 =	sadd.s32 $0x0, s15;
	[tilespmem:v11+s22+$0x0] =	vst.idx.msk $0xffff, v3;
	v3 =	vmul.f32 $8.000000000e+00, v9;
	v7 =	vmov s9  }
0xb8: {  	s8 =	sshll.u32 s8, $0xB;
	s14 =	sor.u32 $0x1, s6;
	[tilespmem:v6+s22+$0x0] =	vst.idx.msk $0xffff, v5;
	v6 =	vmov s10;
	v8 =	vadd.s32 s6, v0;
	v5 =	vshll.u32 v7, $0x8  }
0xb9: {  	s13 =	sor.u32 $0x2, s0;
	s12 =	sor.u32 $0x3, s6;
	s8 =	sadd.s32 s4, s8;
	v7 =	vadd.s32 s14, v0;
	v8 =	vand.u32 $0xF, v8;
	[tilespmem:v4+s22+$0x0] =	vst.idx.msk $0xffff, v3;
	v3 =	vor.u32 v1, v5  }
0xba: {  	v4 =	vshll.u32 v6, $0x3;
	v5 =	vadd.s32 s12, v0;
	v7 =	vand.u32 $0xF, v7;
	[hbm4b:s8+s5] =	stream.linear.scatter [tilespmem:s22], [sflag:$0x5], $0x4000, $0x38;
	[tilespmem:$0x18000] =	vst v63  }
0xbb: {  	s12 =	sor.u32 $0x2, s6;
	v10 =	vshll.u32 v8, $0x1;
	v3 =	vand.u32 $0x3800, v3;
	v4 =	vand.u32 $0x400, v4;
	s8 =	smin.u32 s13, $0xF41  }
0xbc: {  	v5 =	vand.u32 $0xF, v5;
	v9 =	vadd.s32 s12, v0;
	v11 =	vshll.u32 v7, $0x1;
	s8 =	sshll.u32 s8, $0x8  }
0xbd: {  	v3 =	vor.u32 v4, v3;
	v4 =	vand.u32 $0x61, v6;
	v6 =	vshll.u32 v5, $0x1;
	s15 =	sadd.s32 s1, s8  }
0xbe: {  	v9 =	vand.u32 $0xF, v9;
	v3 =	vor.u32 v2, v3;
	v6 =	vor.u32 v4, v6;
	[tilespmem:s19], [sflag:$0x3] =	stream.strided.gather [hbm4b:s15+s16], $0x4000, s17, s16, $0x38;
	[tilespmem:$0x18000] =	vst v63  }
0xbf: {  	v12 =	vshll.u32 v9, $0x1;
	v10 =	vor.u32 v10, v4;
	v11 =	vor.u32 v4, v11;
	_ =	swait.ge [sflag:s28], $0x4000  }
0xc0: {  	s3 =	sshll.u32 s3, $0x4;
	v6 =	vor.u32 v6, v3;
	v4 =	vor.u32 v4, v12;
	v10 =	vor.u32 v10, v3;
	[sflag:s28] =	ssyncset.done $0x0  }
0xc1: {  	s8 =	simm.s32 $0x0;
	v11 =	vor.u32 v11, v3;
	v14 =	vor.u32 v4, v3;
	v3 =	vor.u32 s3, v7;
	[sflag:s28] =	ssyncadd.s32 $0xFFFFC000  }
0xc2: {  	s6 =	sor.u32 s9, s8;
	s9 =	simm.s32 $0x0;
	v7 =	vor.u32 s3, v9;
	v4 =	vor.u32 s3, v5;
	v5 =	vor.u32 s3, v8;
	_ =	swait.ge [sflag:s29], $0x4000  }
0xc3: {  	s3 =	simm.s32 $0x4;
	v8 =	vor.u32 s6, v0;
	s6 =	sand.u32 $0x7, s9;
	v4 =	vshll.u32 v4, $0x7;
	v3 =	vshll.u32 v3, $0x7;
	[sflag:s29] =	ssyncset.done $0x0  }
0xc4: {  	s8 =	sand.u32 $0x30, s3;
	s10 =	sshll.u32 s6, $0x5;
	v5 =	vshll.u32 v5, $0x7;
	v9 =	vadd.s32 v8, v4;
	v4 =	vadd.s32 v8, v3;
	[sflag:s29] =	ssyncadd.s32 $0xFFFFC000  }
0xc5: {  	s12 =	sand.u32 $0xC, s3;
	v3 =	vshll.u32 v7, $0x7;
	v7 =	vmov s8;
	s9 =	sadd.s32 $0x0, s10;
	v5 =	vadd.s32 v8, v5;
	v6 =	vld.idx.msk [tilespmem:v6+s20+$0x0], $0xffff  }
0xc6: {  	s13 =	sor.u32 $0x3, s12;
	v3 =	vadd.s32 v8, v3;
	v7 =	vshll.u32 v7, $0x8;
	v8 =	vmov s9  }
0xc7: {  	v13 =	vadd.s32 s13, v0;
	v7 =	vor.u32 v1, v7;
	v12 =	vshll.u32 v8, $0x3  }
0xc8: {  	v15 =	vand.u32 $0x3800, v7;
	v12 =	vand.u32 $0x400, v12;
	v7 =	vand.u32 $0xF, v13  }
0xc9: {  	v8 =	vand.u32 $0x61, v8;
	v12 =	vor.u32 v12, v15;
	v13 =	vshll.u32 v7, $0x1  }
0xca: {  	s14 =	sor.u32 $0x1, s12;
	v15 =	vld.idx.msk [tilespmem:v10+s20+$0x0], $0xffff;
	v17 =	vor.u32 v2, v12;
	v16 =	vmul.f32 $8.000000000e+00, v6;
	v6 =	vor.u32 v8, v13  }
0xcb: {  	s15 =	sor.u32 $0x2, s12;
	v18 =	vld.idx.msk [tilespmem:v11+s20+$0x0], $0xffff;
	v10 =	vadd.s32 s14, v0;
	v11 =	vadd.s32 s12, v0;
	v19 =	vor.u32 v6, v17  }
0xcc: {  	v11 =	vand.u32 $0xF, v11;
	v13 =	vand.u32 $0xF, v10;
	v6 =	vadd.s32 s15, v0  }
0xcd: {  	v10 =	vshll.u32 v13, $0x1;
	v12 =	vand.u32 $0xF, v6;
	v6 =	vshll.u32 v11, $0x1  }
0xce: {  	v10 =	vor.u32 v8, v10;
	v20 =	vshll.u32 v12, $0x1;
	v21 =	vor.u32 v6, v8;
	v6 =	vld.idx.msk [tilespmem:v14+s20+$0x0], $0xffff  }
0xcf: {  	[tilespmem:v9+s24+$0x0] =	vst.idx.msk $0xffff, v16;
	v16 =	vmul.f32 $8.000000000e+00, v15;
	v8 =	vor.u32 v8, v20;
	v14 =	vor.u32 v21, v17  }
0xd0: {  	s10 =	simm.s32 $0x0;
	s9 =	sshll.u32 s6, $0x4;
	v15 =	vmul.f32 $8.000000000e+00, v18;
	v10 =	vor.u32 v10, v17;
	v9 =	vor.u32 v8, v17;
	v8 =	vld.idx.msk [tilespmem:v19+s20+$0x0], $0xffff  }
.LBB2_9:
0xd1: {  	s3 =	sadd.s32 $0x4, s3;
	s6 =	sor.u32 s8, s10;
	v13 =	vor.u32 s9, v13;
	v12 =	vor.u32 s9, v12;
	v7 =	vor.u32 s9, v7  }
0xd2: {  	v11 =	vor.u32 s9, v11;
	s8 =	sshrl.u32 s3, $0x6;
	p1 =	slt.u32 s3, $0x3FC;
	v17 =	vor.u32 s6, v0;
	v7 =	vshll.u32 v7, $0x7;
	[tilespmem:v5+s24+$0x0] =	vst.idx.msk $0xffff, v16  }
0xd3: {  	v6 =	vmul.f32 $8.000000000e+00, v6;
	v5 =	vshll.u32 v13, $0x7;
	s9 =	sand.u32 $0x7, s8;
	v13 =	vadd.s32 v17, v7;
	[tilespmem:v4+s24+$0x0] =	vst.idx.msk $0xffff, v15  }
0xd4: {  	s6 =	sshrl.u32 s3, $0x9;
	s8 =	sand.u32 $0x30, s3;
	v7 =	vshll.u32 v11, $0x7;
	v4 =	vadd.s32 v17, v5;
	v11 =	vshll.u32 v12, $0x7;
	s10 =	sshll.u32 s9, $0x5;
	v15 =	vld.idx.msk [tilespmem:v14+s20+$0x0], $0xffff  }
0xd5: {  	s12 =	sand.u32 $0xC, s3;
	v12 =	vmov s8;
	v5 =	vadd.s32 v17, v7;
	s10 =	sadd.s32 s6, s10;
	v18 =	vld.idx.msk [tilespmem:v10+s20+$0x0], $0xffff;
	[tilespmem:v3+s24+$0x0] =	vst.idx.msk $0xffff, v6;
	v3 =	vadd.s32 v17, v11  }
0xd6: {  	s13 =	sor.u32 $0x2, s12;
	s14 =	sor.u32 $0x3, s12;
	v7 =	vshll.u32 v12, $0x8;
	v8 =	vmul.f32 $8.000000000e+00, v8;
	v10 =	vmov s10;
	s10 =	sor.u32 $0x1, s12;
	v6 =	vld.idx.msk [tilespmem:v9+s20+$0x0], $0xffff  }
0xd7: {  	v11 =	vadd.s32 s14, v0;
	v7 =	vor.u32 v1, v7;
	v9 =	vshll.u32 v10, $0x3  }
0xd8: {  	v12 =	vand.u32 $0x3800, v7;
	v7 =	vand.u32 $0xF, v11;
	v9 =	vand.u32 $0x400, v9;
	[tilespmem:v13+s24+$0x0] =	vst.idx.msk $0xffff, v8  }
0xd9: {  	v8 =	vand.u32 $0x61, v10;
	v10 =	vshll.u32 v7, $0x1;
	v9 =	vor.u32 v9, v12  }
0xda: {  	v12 =	vadd.s32 s10, v0;
	v10 =	vor.u32 v8, v10;
	v9 =	vor.u32 v2, v9  }
0xdb: {  	v14 =	vadd.s32 s13, v0;
	v11 =	vadd.s32 s12, v0;
	v16 =	vor.u32 v10, v9  }
.Ltmp3:
0xdc: {  	v11 =	vand.u32 $0xF, v11;
	v13 =	vand.u32 $0xF, v12;
	v12 =	vand.u32 $0xF, v14;
	(pc) =	sbr.rel @p1 .LBB2_9-.Ltmp3, $4  }
0xdd: {  	v10 =	vshll.u32 v11, $0x1;
	v14 =	vshll.u32 v13, $0x1;
	v17 =	vshll.u32 v12, $0x1  }
0xde: {  	v10 =	vor.u32 v10, v8;
	v19 =	vor.u32 v8, v14;
	v8 =	vor.u32 v8, v17  }
0xdf: {  	v14 =	vor.u32 v10, v9;
	v10 =	vor.u32 v19, v9;
	v9 =	vor.u32 v8, v9  }
0xe0: {  	s9 =	sshll.u32 s9, $0x4;
	s10 =	sshll.u32 s6, $0x6;
	v8 =	vld.idx.msk [tilespmem:v16+s20+$0x0], $0xffff;
	v16 =	vmul.f32 $8.000000000e+00, v15;
	v15 =	vmul.f32 $8.000000000e+00, v18  }
0xe1: {  	_ =	sdelay $0x2  }
0xe2: {  	s3 =	sor.u32 s8, s10;
	v7 =	vor.u32 s9, v7  }
0xe3: {  	v11 =	vor.u32 s9, v11;
	v14 =	vld.idx.msk [tilespmem:v14+s20+$0x0], $0xffff;
	v17 =	vor.u32 s3, v0;
	v7 =	vshll.u32 v7, $0x7  }
0xe4: {  	v13 =	vor.u32 s9, v13;
	v10 =	vld.idx.msk [tilespmem:v10+s20+$0x0], $0xffff;
	v11 =	vshll.u32 v11, $0x7;
	v7 =	vadd.s32 v17, v7  }
0xe5: {  	v12 =	vor.u32 s9, v12;
	v9 =	vld.idx.msk [tilespmem:v9+s20+$0x0], $0xffff;
	v13 =	vshll.u32 v13, $0x7;
	v11 =	vadd.s32 v17, v11  }
0xe6: {  	v60 =	vmul.f32 $8.000000000e+00, v6;
	[tilespmem:v5+s24+$0x0] =	vst.idx.msk $0xffff, v16;
	v12 =	vshll.u32 v12, $0x7;
	v61 =	vadd.s32 v17, v13  }
0xe7: {  	[tilespmem:v4+s24+$0x0] =	vst.idx.msk $0xffff, v15;
	v62 =	vadd.s32 v17, v12;
	v8 =	vmul.f32 $8.000000000e+00, v8  }
0xe8: {  	[tilespmem:v3+s24+$0x0] =	vst.idx.msk $0xffff, v60;
	v3 =	vmul.f32 $8.000000000e+00, v14  }
0xe9: {  	s2 =	sor.u32 $0x3, s2;
	v63 =	vmul.f32 $8.000000000e+00, v10;
	[tilespmem:v7+s24+$0x0] =	vst.idx.msk $0xffff, v8  }
0xea: {  	s0 =	sor.u32 $0x3, s0;
	p1 =	sne.s32 s31, $0x1F;
	s2 =	smin.u32 s2, $0xF41;
	[tilespmem:v11+s24+$0x0] =	vst.idx.msk $0xffff, v3;
	v3 =	vmul.f32 $8.000000000e+00, v9  }
.Ltmp4:
0xeb: {  	s0 =	smin.u32 s0, $0xF41;
	s2 =	sshll.u32 s2, $0xB;
	[tilespmem:v61+s24+$0x0] =	vst.idx.msk $0xffff, v63;
	(pc) =	sbr.rel @p1 .LBB2_2-.Ltmp4, $4  }
0xec: {  	s0 =	sshll.u32 s0, $0x8;
	s2 =	sadd.s32 s4, s2;
	[tilespmem:v62+s24+$0x0] =	vst.idx.msk $0xffff, v3  }
0xed: {  	[hbm4b:s2+s5] =	stream.linear.scatter [tilespmem:s24], [sflag:$0x6], $0x4000, $0x38;
	[tilespmem:$0x18000] =	vst v63  }
0xee: {  	s0 =	sadd.s32 s1, s0  }
0xef: {  	[tilespmem:s20], [sflag:$0x4] =	stream.strided.gather [hbm4b:s0+s16], $0x4000, s17, s16, $0x38;
	[tilespmem:$0x18000] =	vst v63  }
0xf0: {  	_ =	swait.ge [sflag:s21], $0x4000  }
0xf1: {  	[sflag:s21] =	ssyncset.done $0x0  }
0xf2: {  	[sflag:s21] =	ssyncadd.s32 $0xFFFFC000  }
0xf3: {  	_ =	swait.ge [sflag:s23], $0x4000  }
0xf4: {  	[sflag:s23] =	ssyncset.done $0x0  }
0xf5: {  	[sflag:s23] =	ssyncadd.s32 $0xFFFFC000  }
0xf6: {  	_ =	swait.ge [sflag:s25], $0x4000  }
0xf7: {  	[sflag:s25] =	ssyncset.done $0x0  }
0xf8: {  	[sflag:s25] =	ssyncadd.s32 $0xFFFFC000  }
0xf9: {  	_ =	swait.ge [sflag:s28], $0x4000  }
0xfa: {  	[sflag:s28] =	ssyncset.done $0x0  }
0xfb: {  	[sflag:s28] =	ssyncadd.s32 $0xFFFFC000  }
0xfc: {  	_ =	swait.ge [sflag:s26], $0x4000  }
0xfd: {  	[sflag:s26] =	ssyncset.done $0x0  }
0xfe: {  	[sflag:s26] =	ssyncadd.s32 $0xFFFFC000  }
0xff: {  	_ =	swait.ge [sflag:s29], $0x4000  }
0x100: {  	[sflag:s29] =	ssyncset.done $0x0  }
0x101: {  	[sflag:s29] =	ssyncadd.s32 $0xFFFFC000  }
0x102: {  	s0 =	simm.s32 @!p0 $0x0;
	s2 =	rddreg [dreg:$0x1]  }
0x103: {  	[tilespmem:s0], [sflag:$0x7] =	stream.linear.gather @!p0 [hbm4b:s2+s0], $0x400, $0x38;
	[tilespmem:$0x18000] =	vst v63  }
0x104: {  	s3 =	rddreg [dreg:$0x9];
	s2 =	simm.s32 @!p0 $0x800  }
0x105: {  	[tilespmem:s2], [sflag:$0x7] =	stream.linear.gather @!p0 [hbm4b:s3+s0], $0x400, $0x38;
	[tilespmem:$0x18000] =	vst v63  }
0x106: {  	s6 =	rddreg [dreg:$0xa];
	s3 =	simm.s32 @!p0 $0x1000  }
0x107: {  	[tilespmem:s3], [sflag:$0x7] =	stream.linear.gather @!p0 [hbm4b:s6+s0], $0x400, $0x38;
	[tilespmem:$0x18000] =	vst v63  }
0x108: {  	s8 =	rddreg [dreg:$0xb];
	s6 =	simm.s32 @!p0 $0x1800  }
0x109: {  	[tilespmem:s6], [sflag:$0x7] =	stream.linear.gather @!p0 [hbm4b:s8+s0], $0x400, $0x38;
	[tilespmem:$0x18000] =	vst v63  }
0x10a: {  	s8 =	simm.s32 @!p0 $0x7  }
0x10b: {  	_ =	swait.ge @!p0 [sflag:s8], $0x1000  }
0x10c: {  	[sflag:s8] =	ssyncset.done @!p0 $0x0  }
0x10d: {  	[sflag:s8] =	ssyncadd.s32 @!p0 $0xFFFFF000  }
0x10e: {  	[hbm4b:s11+s0] =	stream.linear.scatter @!p0 [tilespmem:s0], [sflag:$0x7], $0x400, $0x38;
	[tilespmem:$0x18000] =	vst v63  }
0x10f: {  	s9 =	sadd.s32 @!p0 $0x80, s11  }
0x110: {  	[hbm4b:s9+s0] =	stream.linear.scatter @!p0 [tilespmem:s2], [sflag:$0x7], $0x400, $0x38;
	[tilespmem:$0x18000] =	vst v63  }
0x111: {  	s2 =	sadd.s32 @!p0 $0x100, s11  }
0x112: {  	[hbm4b:s2+s0] =	stream.linear.scatter @!p0 [tilespmem:s3], [sflag:$0x7], $0x400, $0x38;
	[tilespmem:$0x18000] =	vst v63  }
0x113: {  	s2 =	sadd.s32 @!p0 $0x180, s11  }
0x114: {  	[hbm4b:s2+s0] =	stream.linear.scatter @!p0 [tilespmem:s6], [sflag:$0x7], $0x400, $0x38;
	[tilespmem:$0x18000] =	vst v63  }
0x115: {  	_ =	swait.ge @!p0 [sflag:s8], $0x1000  }
0x116: {  	s30 =	sadd.s32 $0x1, s30;
	s31 =	rddreg [dreg:$0x8]  }
0x117: {  	p1 =	sne.s32 s30, s31  }
.Ltmp5:
0x118: {  	_ = 	snop;
	(pc) =	sbr.rel @p1 .LBB2_1-.Ltmp5, $3  }
0x119: {  	_ =	sdelay $0x1  }
0x11a: {  	[sflag:s8] =	ssyncset.done @!p0 $0x0  }
0x11b: {  	[sflag:s8] =	ssyncadd.s32 @!p0 $0xFFFFF000  }
0x11c: {  	_ =	sfence.sel $0x180000  }
0x11d: {  	[bflag:$0x0] =	sbarrier.arrive $0xFFFF  }
0x11e: {  	_ =	strace $0x90000047  }
0x11f: {  	s0 =	stileid.u32;
	[bflag:$0x2] =	sbarrier.arrive $0xFFFF  }
0x120: {  	p0 =	sne.s32 s0, $0x0;
	s0 =	rddreg [dreg:$0x3]  }
0x121: {  	s0 =	sadd.s32 @!p0 $0x100000, s0  }
0x122: {  	[sflag:s0] =	ssyncadd.tile.s32 @!p0 $0x1;
	_ =	shalt  }
.Lfunc_end2:
_tile_overlayer_lowered:
.L_overlay_start_2:
0x123: {  	(tag) =	ssettag $0x2  }
0x124: {  	s0 =	rddreg [dreg:$0x0];
	s2 =	stileid.u32  }
0x125: {  	s1 =	rddreg [dreg:$0x1];
	p0 =	sne.s32 s2, $0x0  }
0x126: {  	s3 =	rddreg [dreg:$0x2];
	[bflag:$0x3] =	sbarrier.arrive $0xFFFF;
	s2 =	simm.s32 @!p0 $0x1C07  }
0x127: {  	[timem:s3], [sflag:s2] =	dma.local @!p0 [hbm:s0], s1  }
0x128: {  	s0 =	simm.s32 @!p0 $0x7  }
0x129: {  	_ =	swait.ge @!p0 [sflag:s0], s1  }
0x12a: {  	s1 =	ssub.s32 @!p0 $0x0, s1;
	[sflag:s0] =	ssyncset.done @!p0 $0x0  }
0x12b: {  	[sflag:s0] =	ssyncadd.s32 @!p0 s1  }
0x12c: {  	[bflag:$0x3] =	sbarrier.arrive $0xFFFF  }
0x12d: {  	_ =	shalt  }

</sc_bundles>
